<compile_context>
chip_gen: v7x
topology: tpu7x:2x2x1
jax: 0.10.2.dev20260603
libtpu: 0.0.44.dev20260713+nightly
codegen_flags: <defaults>
</compile_context>

<pallas_src>
import functools

import jax
import jax.numpy as jnp
from jax import lax
from jax.experimental import pallas as pl
from jax.experimental.pallas import tpu as pltpu
from jax.experimental.pallas import tpu_sc as plsc

N = 10000
E = 320000
H = 128
GEO = 16
DEPTH = 3

NC = 2
NS = 16
NW = NC * NS

NCHUNK = 2
EC = E // NCHUNK

G_ROWS = 3 * EC
R_PER_W = G_ROWS // NW
G_CHUNK = 120
G_ITERS = R_PER_W // G_CHUNK


@functools.cache
def _sc_mesh():
    return plsc.VectorSubcoreMesh(core_axis_name="c", subcore_axis_name="s",
                                  num_cores=NC, num_subcores=NS)


@functools.cache
def _gather_kernel_fn(cidx):
    del cidx
    return pl.kernel(
        _gather_body,
        out_type=jax.ShapeDtypeStruct((G_ROWS, H), jnp.float32),
        mesh=_sc_mesh(),
        scratch_types=[
            pltpu.VMEM((R_PER_W,), jnp.int32),
            pltpu.VMEM((G_CHUNK, H), jnp.float32),
            pltpu.VMEM((G_CHUNK, H), jnp.float32),
            pltpu.VMEM_SHARED((N, H), jnp.float32),
            pltpu.SemaphoreType.DMA,
            pltpu.SemaphoreType.DMA,
            pltpu.SemaphoreType.DMA,
            pltpu.SemaphoreType.DMA,
        ],
    )


def _gather_body(table_hbm, idx_hbm, out_hbm, idx_v, buf0, buf1, table_sh,
                 sg0, sg1, so0, so1):
    c = lax.axis_index("c")
    sid = lax.axis_index("s")
    wid = sid * NC + c
    base = wid * R_PER_W

    @pl.when(sid < 10)
    def _():
        pltpu.sync_copy(table_hbm.at[pl.ds(sid * 1000, 1000)],
                        table_sh.at[pl.ds(sid * 1000, 1000)])

    pltpu.sync_copy(idx_hbm.at[pl.ds(base, R_PER_W)], idx_v)
    plsc.subcore_barrier()

    bufs = (buf0, buf1)
    gsems = (sg0, sg1)
    osems = (so0, so1)

    def start_g(t, b):
        return pltpu.async_copy(
            table_sh.at[idx_v.at[pl.ds(t * G_CHUNK, G_CHUNK)]],
            bufs[b], gsems[b])

    def start_o(t, b):
        return pltpu.async_copy(
            bufs[b], out_hbm.at[pl.ds(base + t * G_CHUNK, G_CHUNK)], osems[b])

    start_g(0, 0)
    start_g(1, 1)

    def body(o, carry):
        t0 = o * 2
        for b in range(2):
            t = t0 + b
            pltpu.make_async_copy(
                table_sh.at[idx_v.at[pl.ds(t * G_CHUNK, G_CHUNK)]],
                bufs[b], gsems[b]).wait()
            start_o(t, b)
        for b in range(2):
            t = t0 + b
            pltpu.make_async_copy(
                bufs[b], out_hbm.at[pl.ds(base + t * G_CHUNK, G_CHUNK)],
                osems[b]).wait()

            @pl.when(t + 2 < G_ITERS)
            def _():
                start_g(t + 2, b)

        return carry

    lax.fori_loop(0, G_ITERS // 2, body, 0)

    t_last = G_ITERS - 1
    pltpu.make_async_copy(
        table_sh.at[idx_v.at[pl.ds(t_last * G_CHUNK, G_CHUNK)]],
        bufs[0], gsems[0]).wait()
    start_o(t_last, 0)
    pltpu.make_async_copy(
        bufs[0], out_hbm.at[pl.ds(base + t_last * G_CHUNK, G_CHUNK)],
        osems[0]).wait()


CH = EC // 128
CH_PER_CORE = CH // NC
T_ITERS = 40


@functools.cache
def _scatter_kernel_fn():
    return pl.kernel(
        _scatter_body,
        out_type=jax.ShapeDtypeStruct((NC, N, H), jnp.float32),
        mesh=_sc_mesh(),
        scratch_types=[
            pltpu.VMEM((128,), jnp.int32),
            pltpu.VMEM((128,), jnp.int32),
            pltpu.VMEM((128, H), jnp.float32),
            pltpu.VMEM((128, H), jnp.float32),
            pltpu.VMEM_SHARED((N, H), jnp.float32),
            pltpu.SemaphoreType.DMA,
            pltpu.SemaphoreType.DMA,
        ],
    )


def _scatter_body(upd_hbm, idx2_hbm, zeros_hbm, out_hbm,
                  idx0, idx1, upd0, upd1, acc_sh, sm0, sm1):
    c = lax.axis_index("c")
    s = lax.axis_index("s")

    @pl.when(s == 0)
    def _():
        pltpu.sync_copy(zeros_hbm, acc_sh)

    plsc.subcore_barrier()

    idxb = (idx0, idx1)
    updb = (upd0, upd1)
    sems = (sm0, sm1)

    def stage(t, b):
        j = c * CH_PER_CORE + t * NS + s
        pltpu.async_copy(idx2_hbm.at[j], idxb[b], sems[b])
        pltpu.async_copy(upd_hbm.at[pl.ds(j * 128, 128)], updb[b], sems[b])

    def wait_stage(t, b):
        j = c * CH_PER_CORE + t * NS + s
        pltpu.make_async_copy(idx2_hbm.at[j], idxb[b], sems[b]).wait()
        pltpu.make_async_copy(
            upd_hbm.at[pl.ds(j * 128, 128)], updb[b], sems[b]).wait()

    stage(0, 0)

    def body(o, carry):
        t0 = o * 2
        for b in range(2):
            t = t0 + b

            @pl.when(t * NS + s < CH_PER_CORE)
            def _():
                wait_stage(t, b)

            @pl.when((t + 1) * NS + s < CH_PER_CORE)
            def _():
                stage(t + 1, 1 - b)

            @pl.when(t * NS + s < CH_PER_CORE)
            def _():
                pltpu.sync_copy(updb[b], acc_sh.at[idxb[b]], add=True)

        return carry

    lax.fori_loop(0, T_ITERS // 2, body, 0)
    plsc.subcore_barrier()

    @pl.when(s < 10)
    def _():
        pltpu.sync_copy(acc_sh.at[pl.ds(s * 1000, 1000)],
                        out_hbm.at[c, pl.ds(s * 1000, 1000)])


BE = 3200
GRID = EC // BE
SLAB = EC // BE


def _mlp_body(gi, gj, gk, geo, sf, wi, wj, wk, wg, b1, wr, br, out):
    f = jnp.float32
    h = (jnp.dot(gi[...].astype(jnp.bfloat16), wi[...], preferred_element_type=f)
         + jnp.dot(gj[...].astype(jnp.bfloat16), wj[...], preferred_element_type=f)
         + jnp.dot(gk[...].astype(jnp.bfloat16), wk[...], preferred_element_type=f)
         + jnp.dot(geo[...].astype(jnp.bfloat16), wg[...], preferred_element_type=f))
    h = jnp.maximum(h + b1[...][None, :], 0.0)
    for l in range(DEPTH):
        h = jnp.dot(h.astype(jnp.bfloat16), wr[l],
                    preferred_element_type=f)
        h = jnp.maximum(h + br[l][None, :], 0.0)
    out[...] = jnp.where(sf[...] > 0.0, h[:, :H], h[:, H:])


def _mlp_call(gath, geo, sf, wi, wj, wk, wg, b1, wrbd, brc):
    full = lambda a: pl.BlockSpec(a.shape, lambda e: (0,) * a.ndim)
    return pl.pallas_call(
        _mlp_body,
        grid=(GRID,),
        in_specs=[
            pl.BlockSpec((BE, H), lambda e: (e, 0)),
            pl.BlockSpec((BE, H), lambda e: (e + SLAB, 0)),
            pl.BlockSpec((BE, H), lambda e: (e + 2 * SLAB, 0)),
            pl.BlockSpec((BE, GEO), lambda e: (e, 0)),
            pl.BlockSpec((BE, 1), lambda e: (e, 0)),
            full(wi), full(wj), full(wk), full(wg), full(b1),
            full(wrbd), full(brc),
        ],
        out_specs=pl.BlockSpec((BE, H), lambda e: (e, 0)),
        out_shape=jax.ShapeDtypeStruct((EC, H), jnp.float32),
        compiler_params=pltpu.CompilerParams(
            dimension_semantics=("arbitrary",)),
    )(gath, gath, gath, geo, sf, wi, wj, wk, wg, b1, wrbd, brc)


def _add_body(p, out):
    out[...] = jnp.sum(p[...], axis=(0, 1))


def _add_call(partials):
    npart = partials.shape[0]
    return pl.pallas_call(
        _add_body,
        grid=(10,),
        in_specs=[pl.BlockSpec((npart, NC, N // 10, H),
                               lambda e: (0, 0, e, 0))],
        out_specs=pl.BlockSpec((N // 10, H), lambda e: (e, 0)),
        out_shape=jax.ShapeDtypeStruct((N, H), jnp.float32),
    )(partials)


def kernel(node_feature, geo_encoding, edge_index_2rd, edx_jk, edx_ij,
           edge_whichface, att, same_face, W_first, b_first, W_rest, b_rest):
    sf = same_face.astype(jnp.float32).reshape(E, 1)

    wf_t = jnp.transpose(W_first, (0, 2, 1))
    wr_t = jnp.transpose(W_rest, (0, 1, 3, 2))
    a = att[:, 0]
    wr_t = wr_t.at[:, DEPTH - 1].multiply(a[:, None, None])
    br = b_rest.at[:, DEPTH - 1].multiply(a[:, None])

    wcat = jnp.concatenate([wf_t[0], wf_t[1]], axis=1)
    wi = wcat[:H].astype(jnp.bfloat16)
    wj = wcat[H:2 * H].astype(jnp.bfloat16)
    wk = wcat[2 * H:3 * H].astype(jnp.bfloat16)
    wg = wcat[3 * H:].astype(jnp.bfloat16)
    b1 = jnp.concatenate([b_first[0], b_first[1]])
    z = jnp.zeros((DEPTH, H, H), jnp.float32)
    wrbd = jnp.concatenate([
        jnp.concatenate([wr_t[0], z], axis=2),
        jnp.concatenate([z, wr_t[1]], axis=2),
    ], axis=1).astype(jnp.bfloat16)
    brc = jnp.concatenate([br[0], br[1]], axis=1)

    ei = edge_index_2rd.astype(jnp.int32)
    zeros = jnp.zeros((N, H), jnp.float32)
    sfn = _scatter_kernel_fn()

    gaths = []
    for cidx in range(NCHUNK):
        lo = cidx * EC
        idx_c = ei[:, lo:lo + EC].reshape(G_ROWS)
        gaths.append(_gather_kernel_fn(cidx)(node_feature, idx_c))
    eos = []
    for cidx in range(NCHUNK):
        lo = cidx * EC
        eos.append(_mlp_call(gaths[cidx], geo_encoding[lo:lo + EC],
                             sf[lo:lo + EC], wi, wj, wk, wg, b1, wrbd, brc))
    parts = []
    for cidx in range(NCHUNK):
        lo = cidx * EC
        idx2_c = ei[0, lo:lo + EC].reshape(CH, 128)
        parts.append(sfn(eos[cidx], idx2_c, zeros))

    return _add_call(jnp.stack(parts))

# --- scband reference (transcript-rebuilt; emitter-appended) ---
"""Pipeline reference for scband-spnn-41721312313478 (READ-ONLY COPY).

The authoritative reference and input builder live on the scoring server;
editing this copy changes nothing except your own understanding.
"""

import jax, jax.numpy as jnp
import numpy as np

N = 10000
E = 320000
H = 128
GEO = 16
DEPTH = 3


def setup_inputs(seed: int = 0) -> dict:
    key = jax.random.key(seed)
    ks = jax.random.split(key, 12)
    node_feature = jax.random.normal(ks[0], (N, H), dtype=jnp.float32)
    geo_encoding = jax.random.normal(ks[1], (E, GEO), dtype=jnp.float32)
    edge_index_2rd = jax.random.randint(ks[2], (3, E), 0, N)
    edx_jk = jax.random.randint(ks[3], (E,), 0, E)
    edx_ij = jax.random.randint(ks[4], (E,), 0, E)
    edge_whichface = jax.random.randint(ks[5], (E,), 0, 2)
    att = jax.random.uniform(ks[6], (2, 1), dtype=jnp.float32)
    same_face = jax.random.randint(ks[7], (E,), 0, 2) == 1
    # learned parameters: two MLP branches, each with (DEPTH+1) Linear layers
    W_first = jax.random.normal(ks[8], (2, H, 3 * H + GEO), dtype=jnp.float32) * 0.02
    b_first = jnp.zeros((2, H), dtype=jnp.float32)
    W_rest = jax.random.normal(ks[9], (2, DEPTH, H, H), dtype=jnp.float32) * 0.02
    b_rest = jnp.zeros((2, DEPTH, H), dtype=jnp.float32)
    return {
        'node_feature': node_feature,
        'geo_encoding': geo_encoding,
        'edge_index_2rd': edge_index_2rd,
        'edx_jk': edx_jk,
        'edx_ij': edx_ij,
        'edge_whichface': edge_whichface,
        'att': att,
        'same_face': same_face,
        'W_first': W_first,
        'b_first': b_first,
        'W_rest': W_rest,
        'b_rest': b_rest,
    }


def _mlp_branch(x, Wf, bf, Wr, br, att_b):
    # [Linear, ReLU] * (DEPTH+1), then leaky_relu * att (batchnorm=False)
    h = x @ Wf.T + bf
    h = jax.nn.relu(h)
    for l in range(DEPTH):
        h = h @ Wr[l].T + br[l]
        h = jax.nn.relu(h)
    return jax.nn.leaky_relu(h, 0.01) * att_b


def reference(node_feature, geo_encoding, edge_index_2rd, edx_jk, edx_ij,
              edge_whichface, att, same_face, W_first, b_first, W_rest, b_rest):
    i = edge_index_2rd[0]
    j = edge_index_2rd[1]
    k = edge_index_2rd[2]
    node_attr_0st = jnp.take(node_feature, i, axis=0)
    node_attr_1st = jnp.take(node_feature, j, axis=0)
    node_attr_2 = jnp.take(node_feature, k, axis=0)
    x_i = jnp.concatenate([node_attr_0st, node_attr_1st, node_attr_2, geo_encoding], axis=-1)
    # disjoint masks same_face / ~same_face: compute both branches densely, select with where
    out0 = _mlp_branch(x_i, W_first[0], b_first[0], W_rest[0], b_rest[0], att[0])
    out1 = _mlp_branch(x_i, W_first[1], b_first[1], W_rest[1], b_rest[1], att[1])
    x_output = jnp.where(same_face[:, None], out0, out1)
    out_feature = jax.ops.segment_sum(x_output, i, num_segments=node_feature.shape[0])
    return out_feature

if __name__ == "__main__":
    import jax
    _d = setup_inputs()
    print(jax.jit(kernel)(*tuple(_d.values())))

</pallas_src>

<mosaic_0001>
#map = affine_map<(d0, d1) -> (0, 0)>
#map1 = affine_map<(d0, d1) -> (0)>
module attributes {stable_mosaic.version = 14 : i64} {
  func.func @_gather_body(%arg0: i32, %arg1: i32, %arg2: memref<10000x128xf32, #tpu.memory_space<hbm>>, %arg3: memref<480000xi32, #tpu.memory_space<hbm>>, %arg4: memref<480000x128xf32, #tpu.memory_space<hbm>>, %arg5: memref<15000xi32, #tpu.memory_space<vmem>>, %arg6: memref<120x128xf32, #tpu.memory_space<vmem>>, %arg7: memref<120x128xf32, #tpu.memory_space<vmem>>, %arg8: memref<10000x128xf32, #tpu.memory_space<vmem_shared>>, %arg9: memref<!tpu.dma_semaphore, #tpu.memory_space<semaphore_mem>>, %arg10: memref<!tpu.dma_semaphore, #tpu.memory_space<semaphore_mem>>, %arg11: memref<!tpu.dma_semaphore, #tpu.memory_space<semaphore_mem>>, %arg12: memref<!tpu.dma_semaphore, #tpu.memory_space<semaphore_mem>>) attributes {dimension_semantics = [#tpu.dimension_semantics<core_parallel>, #tpu.dimension_semantics<subcore_parallel>], iteration_bounds = array<i64: 2, 16>, scalar_prefetch = 0 : i64, scratch_operands = 8 : i64, tpu.core_type = #tpu.core_type<sc_vector_subcore>, window_params = [{transform_indices = #map}, {transform_indices = #map1}, {transform_indices = #map}]} {
    %mul3A = arith.constant 2 : i32
    %mul3A_0 = arith.muli %arg1, %mul3A : i32
    %add3A = arith.addi %mul3A_0, %arg0 : i32
    %mul3A_1 = arith.constant 15000 : i32
    %mul3A_2 = arith.muli %add3A, %mul3A_1 : i32
    %lt3A = arith.constant 10 : i32
    %lt3A_3 = arith.cmpi slt, %arg1, %lt3A : i32
    %convert_element_type3A = arith.extui %lt3A_3 : i1 to i32
    %cond3A = arith.constant 0 : i32
    %cond3A_4 = arith.cmpi ne, %convert_element_type3A, %cond3A : i32
    scf.if %cond3A_4 {
      %mul3A_35 = arith.constant 1000 : i32
      %mul3A_36 = arith.muli %arg1, %mul3A_35 : i32
      %mul3A_37 = arith.constant 1000 : i32
      %mul3A_38 = arith.muli %arg1, %mul3A_37 : i32
      "tpu.region"() ({
        %run_scoped3A = tpu.sem_alloc : memref<!tpu.dma_semaphore, #tpu.memory_space<semaphore_mem>>
        %dma_start3A_39 = arith.constant 0 : i32
        %dma_start3A_40 = tpu.memref_slice %arg8[%mul3A_38, %dma_start3A_39] : memref<10000x128xf32, #tpu.memory_space<vmem_shared>> -> memref<1000x128xf32, #tpu.memory_space<vmem_shared>>
        %dma_start3A_41 = arith.constant 0 : i32
        %dma_start3A_42 = tpu.memref_slice %arg2[%mul3A_36, %dma_start3A_41] : memref<10000x128xf32, #tpu.memory_space<hbm>> -> memref<1000x128xf32, #tpu.memory_space<hbm>>
        tpu.enqueue_dma source(%dma_start3A_42 : memref<1000x128xf32, #tpu.memory_space<hbm>>) target(%dma_start3A_40 : memref<1000x128xf32, #tpu.memory_space<vmem_shared>>) target_semaphore(%run_scoped3A : memref<!tpu.dma_semaphore, #tpu.memory_space<semaphore_mem>>)
        %dma_wait3A_43 = arith.constant 0 : i32
        %dma_wait3A_44 = tpu.memref_slice %arg8[%mul3A_38, %dma_wait3A_43] : memref<10000x128xf32, #tpu.memory_space<vmem_shared>> -> memref<1000x128xf32, #tpu.memory_space<vmem_shared>>
        %dma_wait3A_45 = arith.constant 0 : i32
        %dma_wait3A_46 = tpu.memref_slice %arg2[%mul3A_36, %dma_wait3A_45] : memref<10000x128xf32, #tpu.memory_space<hbm>> -> memref<1000x128xf32, #tpu.memory_space<hbm>>
        tpu.wait_dma2 semaphore(%run_scoped3A : memref<!tpu.dma_semaphore, #tpu.memory_space<semaphore_mem>>) src(%dma_wait3A_46 : memref<1000x128xf32, #tpu.memory_space<hbm>>) dst(%dma_wait3A_44 : memref<1000x128xf32, #tpu.memory_space<vmem_shared>>)
        tpu.yield
      }) : () -> ()
    } else {
    }
    "tpu.region"() ({
      %run_scoped3A = tpu.sem_alloc : memref<!tpu.dma_semaphore, #tpu.memory_space<semaphore_mem>>
      %dma_start3A_35 = tpu.memref_slice %arg3[%mul3A_2] : memref<480000xi32, #tpu.memory_space<hbm>> -> memref<15000xi32, #tpu.memory_space<hbm>>
      %dma_start3A_36 = tpu.memref_slice %arg3[%mul3A_2] : memref<480000xi32, #tpu.memory_space<hbm>> -> memref<15000xi32, #tpu.memory_space<hbm>>
      tpu.enqueue_dma source(%dma_start3A_36 : memref<15000xi32, #tpu.memory_space<hbm>>) target(%arg5 : memref<15000xi32, #tpu.memory_space<vmem>>) target_semaphore(%run_scoped3A : memref<!tpu.dma_semaphore, #tpu.memory_space<semaphore_mem>>)
      %dma_wait3A_37 = tpu.memref_slice %arg3[%mul3A_2] : memref<480000xi32, #tpu.memory_space<hbm>> -> memref<15000xi32, #tpu.memory_space<hbm>>
      %dma_wait3A_38 = tpu.memref_slice %arg3[%mul3A_2] : memref<480000xi32, #tpu.memory_space<hbm>> -> memref<15000xi32, #tpu.memory_space<hbm>>
      tpu.wait_dma2 semaphore(%run_scoped3A : memref<!tpu.dma_semaphore, #tpu.memory_space<semaphore_mem>>) src(%dma_wait3A_38 : memref<15000xi32, #tpu.memory_space<hbm>>) dst(%arg5 : memref<15000xi32, #tpu.memory_space<vmem>>)
      tpu.yield
    }) : () -> ()
    %barrier3A = arith.constant 0 : index
    tpu.barrier barrier_id(%barrier3A)
    %dma_start3A = arith.constant 0 : i32
    %dma_start3A_5 = tpu.memref_slice %arg5[%dma_start3A] : memref<15000xi32, #tpu.memory_space<vmem>> -> memref<120xi32, #tpu.memory_space<vmem>>
    %dma_start3A_6 = arith.constant 0 : i32
    %dma_start3A_7 = arith.constant 0 : i32
    %dma_start3A_8 = tpu.memref_slice %arg8[%dma_start3A_6, %dma_start3A_7] : memref<10000x128xf32, #tpu.memory_space<vmem_shared>> -> memref<10000x128xf32, #tpu.memory_space<vmem_shared>>
    tpu.enqueue_indirect_dma source(%dma_start3A_8 : memref<10000x128xf32, #tpu.memory_space<vmem_shared>>) target(%arg6 : memref<120x128xf32, #tpu.memory_space<vmem>>) offsets(%dma_start3A_5 : memref<120xi32, #tpu.memory_space<vmem>>) semaphore(%arg9 : memref<!tpu.dma_semaphore, #tpu.memory_space<semaphore_mem>>)
    %dma_start3A_9 = arith.constant 120 : i32
    %dma_start3A_10 = tpu.memref_slice %arg5[%dma_start3A_9] : memref<15000xi32, #tpu.memory_space<vmem>> -> memref<120xi32, #tpu.memory_space<vmem>>
    %dma_start3A_11 = arith.constant 0 : i32
    %dma_start3A_12 = arith.constant 0 : i32
    %dma_start3A_13 = tpu.memref_slice %arg8[%dma_start3A_11, %dma_start3A_12] : memref<10000x128xf32, #tpu.memory_space<vmem_shared>> -> memref<10000x128xf32, #tpu.memory_space<vmem_shared>>
    tpu.enqueue_indirect_dma source(%dma_start3A_13 : memref<10000x128xf32, #tpu.memory_space<vmem_shared>>) target(%arg7 : memref<120x128xf32, #tpu.memory_space<vmem>>) offsets(%dma_start3A_10 : memref<120xi32, #tpu.memory_space<vmem>>) semaphore(%arg10 : memref<!tpu.dma_semaphore, #tpu.memory_space<semaphore_mem>>)
    %scan3A = arith.constant 0 : i32
    %scan3A_14 = arith.constant 0 : i32
    %scan3A_15 = arith.constant 62 : i32
    %scan3A_16 = arith.addi %scan3A_14, %scan3A_15 : i32
    %scan3A_17 = arith.constant 1 : i32
    scf.for %scan3A_35 = %scan3A_14 to %scan3A_16 step %scan3A_17  : i32 {
      %mul3A_36 = arith.constant 2 : i32
      %mul3A_37 = arith.muli %scan3A_35, %mul3A_36 : i32
      %add3A_38 = arith.constant 0 : i32
      %add3A_39 = arith.addi %mul3A_37, %add3A_38 : i32
      %mul3A_40 = arith.constant 120 : i32
      %mul3A_41 = arith.muli %add3A_39, %mul3A_40 : i32
      %dma_wait3A_42 = tpu.memref_slice %arg5[%mul3A_41] : memref<15000xi32, #tpu.memory_space<vmem>> -> memref<120xi32, #tpu.memory_space<vmem>>
      %dma_wait3A_43 = arith.constant 0 : i32
      %dma_wait3A_44 = arith.constant 0 : i32
      %dma_wait3A_45 = tpu.memref_slice %arg8[%dma_wait3A_43, %dma_wait3A_44] : memref<10000x128xf32, #tpu.memory_space<vmem_shared>> -> memref<10000x128xf32, #tpu.memory_space<vmem_shared>>
      tpu.wait_indirect_dma semaphore(%arg9 : memref<!tpu.dma_semaphore, #tpu.memory_space<semaphore_mem>>) src(%dma_wait3A_45 : memref<10000x128xf32, #tpu.memory_space<vmem_shared>>) dst(%arg6 : memref<120x128xf32, #tpu.memory_space<vmem>>)
      %mul3A_46 = arith.constant 120 : i32
      %mul3A_47 = arith.muli %add3A_39, %mul3A_46 : i32
      %add3A_48 = arith.addi %mul3A_2, %mul3A_47 : i32
      %dma_start3A_49 = arith.constant 0 : i32
      %dma_start3A_50 = tpu.memref_slice %arg4[%add3A_48, %dma_start3A_49] : memref<480000x128xf32, #tpu.memory_space<hbm>> -> memref<120x128xf32, #tpu.memory_space<hbm>>
      %dma_start3A_51 = arith.constant 0 : i32
      %dma_start3A_52 = tpu.memref_slice %arg4[%add3A_48, %dma_start3A_51] : memref<480000x128xf32, #tpu.memory_space<hbm>> -> memref<120x128xf32, #tpu.memory_space<hbm>>
      tpu.enqueue_dma source(%arg6 : memref<120x128xf32, #tpu.memory_space<vmem>>) target(%dma_start3A_52 : memref<120x128xf32, #tpu.memory_space<hbm>>) target_semaphore(%arg11 : memref<!tpu.dma_semaphore, #tpu.memory_space<semaphore_mem>>)
      %add3A_53 = arith.constant 1 : i32
      %add3A_54 = arith.addi %mul3A_37, %add3A_53 : i32
      %mul3A_55 = arith.constant 120 : i32
      %mul3A_56 = arith.muli %add3A_54, %mul3A_55 : i32
      %dma_wait3A_57 = tpu.memref_slice %arg5[%mul3A_56] : memref<15000xi32, #tpu.memory_space<vmem>> -> memref<120xi32, #tpu.memory_space<vmem>>
      %dma_wait3A_58 = arith.constant 0 : i32
      %dma_wait3A_59 = arith.constant 0 : i32
      %dma_wait3A_60 = tpu.memref_slice %arg8[%dma_wait3A_58, %dma_wait3A_59] : memref<10000x128xf32, #tpu.memory_space<vmem_shared>> -> memref<10000x128xf32, #tpu.memory_space<vmem_shared>>
      tpu.wait_indirect_dma semaphore(%arg10 : memref<!tpu.dma_semaphore, #tpu.memory_space<semaphore_mem>>) src(%dma_wait3A_60 : memref<10000x128xf32, #tpu.memory_space<vmem_shared>>) dst(%arg7 : memref<120x128xf32, #tpu.memory_space<vmem>>)
      %mul3A_61 = arith.constant 120 : i32
      %mul3A_62 = arith.muli %add3A_54, %mul3A_61 : i32
      %add3A_63 = arith.addi %mul3A_2, %mul3A_62 : i32
      %dma_start3A_64 = arith.constant 0 : i32
      %dma_start3A_65 = tpu.memref_slice %arg4[%add3A_63, %dma_start3A_64] : memref<480000x128xf32, #tpu.memory_space<hbm>> -> memref<120x128xf32, #tpu.memory_space<hbm>>
      %dma_start3A_66 = arith.constant 0 : i32
      %dma_start3A_67 = tpu.memref_slice %arg4[%add3A_63, %dma_start3A_66] : memref<480000x128xf32, #tpu.memory_space<hbm>> -> memref<120x128xf32, #tpu.memory_space<hbm>>
      tpu.enqueue_dma source(%arg7 : memref<120x128xf32, #tpu.memory_space<vmem>>) target(%dma_start3A_67 : memref<120x128xf32, #tpu.memory_space<hbm>>) target_semaphore(%arg12 : memref<!tpu.dma_semaphore, #tpu.memory_space<semaphore_mem>>)
      %add3A_68 = arith.constant 0 : i32
      %add3A_69 = arith.addi %mul3A_37, %add3A_68 : i32
      %mul3A_70 = arith.constant 120 : i32
      %mul3A_71 = arith.muli %add3A_69, %mul3A_70 : i32
      %add3A_72 = arith.addi %mul3A_2, %mul3A_71 : i32
      %dma_wait3A_73 = arith.constant 0 : i32
      %dma_wait3A_74 = tpu.memref_slice %arg4[%add3A_72, %dma_wait3A_73] : memref<480000x128xf32, #tpu.memory_space<hbm>> -> memref<120x128xf32, #tpu.memory_space<hbm>>
      %dma_wait3A_75 = arith.constant 0 : i32
      %dma_wait3A_76 = tpu.memref_slice %arg4[%add3A_72, %dma_wait3A_75] : memref<480000x128xf32, #tpu.memory_space<hbm>> -> memref<120x128xf32, #tpu.memory_space<hbm>>
      tpu.wait_dma2 semaphore(%arg11 : memref<!tpu.dma_semaphore, #tpu.memory_space<semaphore_mem>>) src(%arg6 : memref<120x128xf32, #tpu.memory_space<vmem>>) dst(%dma_wait3A_76 : memref<120x128xf32, #tpu.memory_space<hbm>>)
      %add3A_77 = arith.constant 2 : i32
      %add3A_78 = arith.addi %add3A_69, %add3A_77 : i32
      %lt3A_79 = arith.constant 125 : i32
      %lt3A_80 = arith.cmpi slt, %add3A_78, %lt3A_79 : i32
      %convert_element_type3A_81 = arith.extui %lt3A_80 : i1 to i32
      %cond3A_82 = arith.constant 0 : i32
      %cond3A_83 = arith.cmpi ne, %convert_element_type3A_81, %cond3A_82 : i32
      scf.if %cond3A_83 {
        %add3A_100 = arith.constant 2 : i32
        %add3A_101 = arith.addi %add3A_69, %add3A_100 : i32
        %mul3A_102 = arith.constant 120 : i32
        %mul3A_103 = arith.muli %add3A_101, %mul3A_102 : i32
        %dma_start3A_104 = tpu.memref_slice %arg5[%mul3A_103] : memref<15000xi32, #tpu.memory_space<vmem>> -> memref<120xi32, #tpu.memory_space<vmem>>
        %dma_start3A_105 = arith.constant 0 : i32
        %dma_start3A_106 = arith.constant 0 : i32
        %dma_start3A_107 = tpu.memref_slice %arg8[%dma_start3A_105, %dma_start3A_106] : memref<10000x128xf32, #tpu.memory_space<vmem_shared>> -> memref<10000x128xf32, #tpu.memory_space<vmem_shared>>
        tpu.enqueue_indirect_dma source(%dma_start3A_107 : memref<10000x128xf32, #tpu.memory_space<vmem_shared>>) target(%arg6 : memref<120x128xf32, #tpu.memory_space<vmem>>) offsets(%dma_start3A_104 : memref<120xi32, #tpu.memory_space<vmem>>) semaphore(%arg9 : memref<!tpu.dma_semaphore, #tpu.memory_space<semaphore_mem>>)
      } else {
      }
      %add3A_84 = arith.constant 1 : i32
      %add3A_85 = arith.addi %mul3A_37, %add3A_84 : i32
      %mul3A_86 = arith.constant 120 : i32
      %mul3A_87 = arith.muli %add3A_85, %mul3A_86 : i32
      %add3A_88 = arith.addi %mul3A_2, %mul3A_87 : i32
      %dma_wait3A_89 = arith.constant 0 : i32
      %dma_wait3A_90 = tpu.memref_slice %arg4[%add3A_88, %dma_wait3A_89] : memref<480000x128xf32, #tpu.memory_space<hbm>> -> memref<120x128xf32, #tpu.memory_space<hbm>>
      %dma_wait3A_91 = arith.constant 0 : i32
      %dma_wait3A_92 = tpu.memref_slice %arg4[%add3A_88, %dma_wait3A_91] : memref<480000x128xf32, #tpu.memory_space<hbm>> -> memref<120x128xf32, #tpu.memory_space<hbm>>
      tpu.wait_dma2 semaphore(%arg12 : memref<!tpu.dma_semaphore, #tpu.memory_space<semaphore_mem>>) src(%arg7 : memref<120x128xf32, #tpu.memory_space<vmem>>) dst(%dma_wait3A_92 : memref<120x128xf32, #tpu.memory_space<hbm>>)
      %add3A_93 = arith.constant 2 : i32
      %add3A_94 = arith.addi %add3A_85, %add3A_93 : i32
      %lt3A_95 = arith.constant 125 : i32
      %lt3A_96 = arith.cmpi slt, %add3A_94, %lt3A_95 : i32
      %convert_element_type3A_97 = arith.extui %lt3A_96 : i1 to i32
      %cond3A_98 = arith.constant 0 : i32
      %cond3A_99 = arith.cmpi ne, %convert_element_type3A_97, %cond3A_98 : i32
      scf.if %cond3A_99 {
        %add3A_100 = arith.constant 2 : i32
        %add3A_101 = arith.addi %add3A_85, %add3A_100 : i32
        %mul3A_102 = arith.constant 120 : i32
        %mul3A_103 = arith.muli %add3A_101, %mul3A_102 : i32
        %dma_start3A_104 = tpu.memref_slice %arg5[%mul3A_103] : memref<15000xi32, #tpu.memory_space<vmem>> -> memref<120xi32, #tpu.memory_space<vmem>>
        %dma_start3A_105 = arith.constant 0 : i32
        %dma_start3A_106 = arith.constant 0 : i32
        %dma_start3A_107 = tpu.memref_slice %arg8[%dma_start3A_105, %dma_start3A_106] : memref<10000x128xf32, #tpu.memory_space<vmem_shared>> -> memref<10000x128xf32, #tpu.memory_space<vmem_shared>>
        tpu.enqueue_indirect_dma source(%dma_start3A_107 : memref<10000x128xf32, #tpu.memory_space<vmem_shared>>) target(%arg7 : memref<120x128xf32, #tpu.memory_space<vmem>>) offsets(%dma_start3A_104 : memref<120xi32, #tpu.memory_space<vmem>>) semaphore(%arg10 : memref<!tpu.dma_semaphore, #tpu.memory_space<semaphore_mem>>)
      } else {
      }
    }
    %scan3A_18 = arith.constant 62 : i32
    %dma_wait3A = arith.constant 14880 : i32
    %dma_wait3A_19 = tpu.memref_slice %arg5[%dma_wait3A] : memref<15000xi32, #tpu.memory_space<vmem>> -> memref<120xi32, #tpu.memory_space<vmem>>
    %dma_wait3A_20 = arith.constant 0 : i32
    %dma_wait3A_21 = arith.constant 0 : i32
    %dma_wait3A_22 = tpu.memref_slice %arg8[%dma_wait3A_20, %dma_wait3A_21] : memref<10000x128xf32, #tpu.memory_space<vmem_shared>> -> memref<10000x128xf32, #tpu.memory_space<vmem_shared>>
    tpu.wait_indirect_dma semaphore(%arg9 : memref<!tpu.dma_semaphore, #tpu.memory_space<semaphore_mem>>) src(%dma_wait3A_22 : memref<10000x128xf32, #tpu.memory_space<vmem_shared>>) dst(%arg6 : memref<120x128xf32, #tpu.memory_space<vmem>>)
    %add3A_23 = arith.constant 14880 : i32
    %add3A_24 = arith.addi %mul3A_2, %add3A_23 : i32
    %dma_start3A_25 = arith.constant 0 : i32
    %dma_start3A_26 = tpu.memref_slice %arg4[%add3A_24, %dma_start3A_25] : memref<480000x128xf32, #tpu.memory_space<hbm>> -> memref<120x128xf32, #tpu.memory_space<hbm>>
    %dma_start3A_27 = arith.constant 0 : i32
    %dma_start3A_28 = tpu.memref_slice %arg4[%add3A_24, %dma_start3A_27] : memref<480000x128xf32, #tpu.memory_space<hbm>> -> memref<120x128xf32, #tpu.memory_space<hbm>>
    tpu.enqueue_dma source(%arg6 : memref<120x128xf32, #tpu.memory_space<vmem>>) target(%dma_start3A_28 : memref<120x128xf32, #tpu.memory_space<hbm>>) target_semaphore(%arg11 : memref<!tpu.dma_semaphore, #tpu.memory_space<semaphore_mem>>)
    %add3A_29 = arith.constant 14880 : i32
    %add3A_30 = arith.addi %mul3A_2, %add3A_29 : i32
    %dma_wait3A_31 = arith.constant 0 : i32
    %dma_wait3A_32 = tpu.memref_slice %arg4[%add3A_30, %dma_wait3A_31] : memref<480000x128xf32, #tpu.memory_space<hbm>> -> memref<120x128xf32, #tpu.memory_space<hbm>>
    %dma_wait3A_33 = arith.constant 0 : i32
    %dma_wait3A_34 = tpu.memref_slice %arg4[%add3A_30, %dma_wait3A_33] : memref<480000x128xf32, #tpu.memory_space<hbm>> -> memref<120x128xf32, #tpu.memory_space<hbm>>
    tpu.wait_dma2 semaphore(%arg11 : memref<!tpu.dma_semaphore, #tpu.memory_space<semaphore_mem>>) src(%arg6 : memref<120x128xf32, #tpu.memory_space<vmem>>) dst(%dma_wait3A_34 : memref<120x128xf32, #tpu.memory_space<hbm>>)
    return
  }
}

#map = affine_map<(d0, d1) -> (0, 0)>
#map1 = affine_map<(d0, d1) -> (0, 0, 0)>
module attributes {stable_mosaic.version = 14 : i64} {
  func.func @_scatter_body(%arg0: i32, %arg1: i32, %arg2: memref<160000x128xf32, #tpu.memory_space<hbm>>, %arg3: memref<1250x128xi32, #tpu.memory_space<hbm>>, %arg4: memref<10000x128xf32, #tpu.memory_space<hbm>>, %arg5: memref<2x10000x128xf32, #tpu.memory_space<hbm>>, %arg6: memref<128xi32, #tpu.memory_space<vmem>>, %arg7: memref<128xi32, #tpu.memory_space<vmem>>, %arg8: memref<128x128xf32, #tpu.memory_space<vmem>>, %arg9: memref<128x128xf32, #tpu.memory_space<vmem>>, %arg10: memref<10000x128xf32, #tpu.memory_space<vmem_shared>>, %arg11: memref<!tpu.dma_semaphore, #tpu.memory_space<semaphore_mem>>, %arg12: memref<!tpu.dma_semaphore, #tpu.memory_space<semaphore_mem>>) attributes {dimension_semantics = [#tpu.dimension_semantics<core_parallel>, #tpu.dimension_semantics<subcore_parallel>], iteration_bounds = array<i64: 2, 16>, scalar_prefetch = 0 : i64, scratch_operands = 7 : i64, tpu.core_type = #tpu.core_type<sc_vector_subcore>, window_params = [{transform_indices = #map}, {transform_indices = #map}, {transform_indices = #map}, {transform_indices = #map1}]} {
    %eq3A = arith.constant 0 : i32
    %eq3A_0 = arith.cmpi eq, %arg1, %eq3A : i32
    %convert_element_type3A = arith.extui %eq3A_0 : i1 to i32
    %cond3A = arith.constant 0 : i32
    %cond3A_1 = arith.cmpi ne, %convert_element_type3A, %cond3A : i32
    scf.if %cond3A_1 {
      "tpu.region"() ({
        %run_scoped3A = tpu.sem_alloc : memref<!tpu.dma_semaphore, #tpu.memory_space<semaphore_mem>>
        tpu.enqueue_dma source(%arg4 : memref<10000x128xf32, #tpu.memory_space<hbm>>) target(%arg10 : memref<10000x128xf32, #tpu.memory_space<vmem_shared>>) target_semaphore(%run_scoped3A : memref<!tpu.dma_semaphore, #tpu.memory_space<semaphore_mem>>)
        tpu.wait_dma2 semaphore(%run_scoped3A : memref<!tpu.dma_semaphore, #tpu.memory_space<semaphore_mem>>) src(%arg4 : memref<10000x128xf32, #tpu.memory_space<hbm>>) dst(%arg10 : memref<10000x128xf32, #tpu.memory_space<vmem_shared>>)
        tpu.yield
      }) : () -> ()
    } else {
    }
    %barrier3A = arith.constant 0 : index
    tpu.barrier barrier_id(%barrier3A)
    %mul3A = arith.constant 625 : i32
    %mul3A_2 = arith.muli %arg0, %mul3A : i32
    %add3A = arith.constant 0 : i32
    %add3A_3 = arith.addi %mul3A_2, %add3A : i32
    %add3A_4 = arith.addi %add3A_3, %arg1 : i32
    %dma_start3A = arith.constant 0 : i32
    %dma_start3A_5 = tpu.memref_slice %arg3[%add3A_4, %dma_start3A] : memref<1250x128xi32, #tpu.memory_space<hbm>> -> memref<1x128xi32, #tpu.memory_space<hbm>>
    %dma_start3A_6 = tpu.memref_squeeze %dma_start3A_5 : memref<1x128xi32, #tpu.memory_space<hbm>> -> memref<128xi32, #tpu.memory_space<hbm>>
    %dma_start3A_7 = arith.constant 0 : i32
    %dma_start3A_8 = tpu.memref_slice %arg3[%add3A_4, %dma_start3A_7] : memref<1250x128xi32, #tpu.memory_space<hbm>> -> memref<1x128xi32, #tpu.memory_space<hbm>>
    %dma_start3A_9 = tpu.memref_squeeze %dma_start3A_8 : memref<1x128xi32, #tpu.memory_space<hbm>> -> memref<128xi32, #tpu.memory_space<hbm>>
    tpu.enqueue_dma source(%dma_start3A_9 : memref<128xi32, #tpu.memory_space<hbm>>) target(%arg6 : memref<128xi32, #tpu.memory_space<vmem>>) target_semaphore(%arg11 : memref<!tpu.dma_semaphore, #tpu.memory_space<semaphore_mem>>)
    %mul3A_10 = arith.constant 128 : i32
    %mul3A_11 = arith.muli %add3A_4, %mul3A_10 : i32
    %dma_start3A_12 = arith.constant 0 : i32
    %dma_start3A_13 = tpu.memref_slice %arg2[%mul3A_11, %dma_start3A_12] : memref<160000x128xf32, #tpu.memory_space<hbm>> -> memref<128x128xf32, #tpu.memory_space<hbm>>
    %dma_start3A_14 = arith.constant 0 : i32
    %dma_start3A_15 = tpu.memref_slice %arg2[%mul3A_11, %dma_start3A_14] : memref<160000x128xf32, #tpu.memory_space<hbm>> -> memref<128x128xf32, #tpu.memory_space<hbm>>
    tpu.enqueue_dma source(%dma_start3A_15 : memref<128x128xf32, #tpu.memory_space<hbm>>) target(%arg8 : memref<128x128xf32, #tpu.memory_space<vmem>>) target_semaphore(%arg11 : memref<!tpu.dma_semaphore, #tpu.memory_space<semaphore_mem>>)
    %scan3A = arith.constant 0 : i32
    %scan3A_16 = arith.constant 0 : i32
    %scan3A_17 = arith.constant 20 : i32
    %scan3A_18 = arith.addi %scan3A_16, %scan3A_17 : i32
    %scan3A_19 = arith.constant 1 : i32
    scf.for %scan3A_26 = %scan3A_16 to %scan3A_18 step %scan3A_19  : i32 {
      %mul3A_27 = arith.constant 2 : i32
      %mul3A_28 = arith.muli %scan3A_26, %mul3A_27 : i32
      %add3A_29 = arith.constant 0 : i32
      %add3A_30 = arith.addi %mul3A_28, %add3A_29 : i32
      %mul3A_31 = arith.constant 16 : i32
      %mul3A_32 = arith.muli %add3A_30, %mul3A_31 : i32
      %add3A_33 = arith.addi %mul3A_32, %arg1 : i32
      %lt3A_34 = arith.constant 625 : i32
      %lt3A_35 = arith.cmpi slt, %add3A_33, %lt3A_34 : i32
      %convert_element_type3A_36 = arith.extui %lt3A_35 : i1 to i32
      %cond3A_37 = arith.constant 0 : i32
      %cond3A_38 = arith.cmpi ne, %convert_element_type3A_36, %cond3A_37 : i32
      scf.if %cond3A_38 {
        %mul3A_85 = arith.constant 625 : i32
        %mul3A_86 = arith.muli %arg0, %mul3A_85 : i32
        %mul3A_87 = arith.constant 16 : i32
        %mul3A_88 = arith.muli %add3A_30, %mul3A_87 : i32
        %add3A_89 = arith.addi %mul3A_86, %mul3A_88 : i32
        %add3A_90 = arith.addi %add3A_89, %arg1 : i32
        %dma_wait3A = arith.constant 0 : i32
        %dma_wait3A_91 = tpu.memref_slice %arg3[%add3A_90, %dma_wait3A] : memref<1250x128xi32, #tpu.memory_space<hbm>> -> memref<1x128xi32, #tpu.memory_space<hbm>>
        %dma_wait3A_92 = tpu.memref_squeeze %dma_wait3A_91 : memref<1x128xi32, #tpu.memory_space<hbm>> -> memref<128xi32, #tpu.memory_space<hbm>>
        %dma_wait3A_93 = arith.constant 0 : i32
        %dma_wait3A_94 = tpu.memref_slice %arg3[%add3A_90, %dma_wait3A_93] : memref<1250x128xi32, #tpu.memory_space<hbm>> -> memref<1x128xi32, #tpu.memory_space<hbm>>
        %dma_wait3A_95 = tpu.memref_squeeze %dma_wait3A_94 : memref<1x128xi32, #tpu.memory_space<hbm>> -> memref<128xi32, #tpu.memory_space<hbm>>
        tpu.wait_dma2 semaphore(%arg11 : memref<!tpu.dma_semaphore, #tpu.memory_space<semaphore_mem>>) src(%dma_wait3A_95 : memref<128xi32, #tpu.memory_space<hbm>>) dst(%arg6 : memref<128xi32, #tpu.memory_space<vmem>>)
        %mul3A_96 = arith.constant 128 : i32
        %mul3A_97 = arith.muli %add3A_90, %mul3A_96 : i32
        %dma_wait3A_98 = arith.constant 0 : i32
        %dma_wait3A_99 = tpu.memref_slice %arg2[%mul3A_97, %dma_wait3A_98] : memref<160000x128xf32, #tpu.memory_space<hbm>> -> memref<128x128xf32, #tpu.memory_space<hbm>>
        %dma_wait3A_100 = arith.constant 0 : i32
        %dma_wait3A_101 = tpu.memref_slice %arg2[%mul3A_97, %dma_wait3A_100] : memref<160000x128xf32, #tpu.memory_space<hbm>> -> memref<128x128xf32, #tpu.memory_space<hbm>>
        tpu.wait_dma2 semaphore(%arg11 : memref<!tpu.dma_semaphore, #tpu.memory_space<semaphore_mem>>) src(%dma_wait3A_101 : memref<128x128xf32, #tpu.memory_space<hbm>>) dst(%arg8 : memref<128x128xf32, #tpu.memory_space<vmem>>)
      } else {
      }
      %add3A_39 = arith.constant 1 : i32
      %add3A_40 = arith.addi %add3A_30, %add3A_39 : i32
      %mul3A_41 = arith.constant 16 : i32
      %mul3A_42 = arith.muli %add3A_40, %mul3A_41 : i32
      %add3A_43 = arith.addi %mul3A_42, %arg1 : i32
      %lt3A_44 = arith.constant 625 : i32
      %lt3A_45 = arith.cmpi slt, %add3A_43, %lt3A_44 : i32
      %convert_element_type3A_46 = arith.extui %lt3A_45 : i1 to i32
      %cond3A_47 = arith.constant 0 : i32
      %cond3A_48 = arith.cmpi ne, %convert_element_type3A_46, %cond3A_47 : i32
      scf.if %cond3A_48 {
        %add3A_85 = arith.constant 1 : i32
        %add3A_86 = arith.addi %add3A_30, %add3A_85 : i32
        %mul3A_87 = arith.constant 625 : i32
        %mul3A_88 = arith.muli %arg0, %mul3A_87 : i32
        %mul3A_89 = arith.constant 16 : i32
        %mul3A_90 = arith.muli %add3A_86, %mul3A_89 : i32
        %add3A_91 = arith.addi %mul3A_88, %mul3A_90 : i32
        %add3A_92 = arith.addi %add3A_91, %arg1 : i32
        %dma_start3A_93 = arith.constant 0 : i32
        %dma_start3A_94 = tpu.memref_slice %arg3[%add3A_92, %dma_start3A_93] : memref<1250x128xi32, #tpu.memory_space<hbm>> -> memref<1x128xi32, #tpu.memory_space<hbm>>
        %dma_start3A_95 = tpu.memref_squeeze %dma_start3A_94 : memref<1x128xi32, #tpu.memory_space<hbm>> -> memref<128xi32, #tpu.memory_space<hbm>>
        %dma_start3A_96 = arith.constant 0 : i32
        %dma_start3A_97 = tpu.memref_slice %arg3[%add3A_92, %dma_start3A_96] : memref<1250x128xi32, #tpu.memory_space<hbm>> -> memref<1x128xi32, #tpu.memory_space<hbm>>
        %dma_start3A_98 = tpu.memref_squeeze %dma_start3A_97 : memref<1x128xi32, #tpu.memory_space<hbm>> -> memref<128xi32, #tpu.memory_space<hbm>>
        tpu.enqueue_dma source(%dma_start3A_98 : memref<128xi32, #tpu.memory_space<hbm>>) target(%arg7 : memref<128xi32, #tpu.memory_space<vmem>>) target_semaphore(%arg12 : memref<!tpu.dma_semaphore, #tpu.memory_space<semaphore_mem>>)
        %mul3A_99 = arith.constant 128 : i32
        %mul3A_100 = arith.muli %add3A_92, %mul3A_99 : i32
        %dma_start3A_101 = arith.constant 0 : i32
        %dma_start3A_102 = tpu.memref_slice %arg2[%mul3A_100, %dma_start3A_101] : memref<160000x128xf32, #tpu.memory_space<hbm>> -> memref<128x128xf32, #tpu.memory_space<hbm>>
        %dma_start3A_103 = arith.constant 0 : i32
        %dma_start3A_104 = tpu.memref_slice %arg2[%mul3A_100, %dma_start3A_103] : memref<160000x128xf32, #tpu.memory_space<hbm>> -> memref<128x128xf32, #tpu.memory_space<hbm>>
        tpu.enqueue_dma source(%dma_start3A_104 : memref<128x128xf32, #tpu.memory_space<hbm>>) target(%arg9 : memref<128x128xf32, #tpu.memory_space<vmem>>) target_semaphore(%arg12 : memref<!tpu.dma_semaphore, #tpu.memory_space<semaphore_mem>>)
      } else {
      }
      %mul3A_49 = arith.constant 16 : i32
      %mul3A_50 = arith.muli %add3A_30, %mul3A_49 : i32
      %add3A_51 = arith.addi %mul3A_50, %arg1 : i32
      %lt3A_52 = arith.constant 625 : i32
      %lt3A_53 = arith.cmpi slt, %add3A_51, %lt3A_52 : i32
      %convert_element_type3A_54 = arith.extui %lt3A_53 : i1 to i32
      %cond3A_55 = arith.constant 0 : i32
      %cond3A_56 = arith.cmpi ne, %convert_element_type3A_54, %cond3A_55 : i32
      scf.if %cond3A_56 {
        "tpu.region"() ({
          %run_scoped3A = tpu.sem_alloc : memref<!tpu.dma_semaphore, #tpu.memory_space<semaphore_mem>>
          %dma_start3A_85 = arith.constant 0 : i32
          %dma_start3A_86 = arith.constant 0 : i32
          %dma_start3A_87 = tpu.memref_slice %arg10[%dma_start3A_85, %dma_start3A_86] : memref<10000x128xf32, #tpu.memory_space<vmem_shared>> -> memref<10000x128xf32, #tpu.memory_space<vmem_shared>>
          tpu.enqueue_indirect_dma source(%arg8 : memref<128x128xf32, #tpu.memory_space<vmem>>) target(%dma_start3A_87 : memref<10000x128xf32, #tpu.memory_space<vmem_shared>>) offsets(%arg6 : memref<128xi32, #tpu.memory_space<vmem>>) semaphore(%run_scoped3A : memref<!tpu.dma_semaphore, #tpu.memory_space<semaphore_mem>>) {add = true}
          %dma_wait3A = arith.constant 0 : i32
          %dma_wait3A_88 = arith.constant 0 : i32
          %dma_wait3A_89 = tpu.memref_slice %arg10[%dma_wait3A, %dma_wait3A_88] : memref<10000x128xf32, #tpu.memory_space<vmem_shared>> -> memref<10000x128xf32, #tpu.memory_space<vmem_shared>>
          tpu.wait_indirect_dma semaphore(%run_scoped3A : memref<!tpu.dma_semaphore, #tpu.memory_space<semaphore_mem>>) src(%arg8 : memref<128x128xf32, #tpu.memory_space<vmem>>) dst(%dma_wait3A_89 : memref<10000x128xf32, #tpu.memory_space<vmem_shared>>)
          tpu.yield
        }) : () -> ()
      } else {
      }
      %add3A_57 = arith.constant 1 : i32
      %add3A_58 = arith.addi %mul3A_28, %add3A_57 : i32
      %mul3A_59 = arith.constant 16 : i32
      %mul3A_60 = arith.muli %add3A_58, %mul3A_59 : i32
      %add3A_61 = arith.addi %mul3A_60, %arg1 : i32
      %lt3A_62 = arith.constant 625 : i32
      %lt3A_63 = arith.cmpi slt, %add3A_61, %lt3A_62 : i32
      %convert_element_type3A_64 = arith.extui %lt3A_63 : i1 to i32
      %cond3A_65 = arith.constant 0 : i32
      %cond3A_66 = arith.cmpi ne, %convert_element_type3A_64, %cond3A_65 : i32
      scf.if %cond3A_66 {
        %mul3A_85 = arith.constant 625 : i32
        %mul3A_86 = arith.muli %arg0, %mul3A_85 : i32
        %mul3A_87 = arith.constant 16 : i32
        %mul3A_88 = arith.muli %add3A_58, %mul3A_87 : i32
        %add3A_89 = arith.addi %mul3A_86, %mul3A_88 : i32
        %add3A_90 = arith.addi %add3A_89, %arg1 : i32
        %dma_wait3A = arith.constant 0 : i32
        %dma_wait3A_91 = tpu.memref_slice %arg3[%add3A_90, %dma_wait3A] : memref<1250x128xi32, #tpu.memory_space<hbm>> -> memref<1x128xi32, #tpu.memory_space<hbm>>
        %dma_wait3A_92 = tpu.memref_squeeze %dma_wait3A_91 : memref<1x128xi32, #tpu.memory_space<hbm>> -> memref<128xi32, #tpu.memory_space<hbm>>
        %dma_wait3A_93 = arith.constant 0 : i32
        %dma_wait3A_94 = tpu.memref_slice %arg3[%add3A_90, %dma_wait3A_93] : memref<1250x128xi32, #tpu.memory_space<hbm>> -> memref<1x128xi32, #tpu.memory_space<hbm>>
        %dma_wait3A_95 = tpu.memref_squeeze %dma_wait3A_94 : memref<1x128xi32, #tpu.memory_space<hbm>> -> memref<128xi32, #tpu.memory_space<hbm>>
        tpu.wait_dma2 semaphore(%arg12 : memref<!tpu.dma_semaphore, #tpu.memory_space<semaphore_mem>>) src(%dma_wait3A_95 : memref<128xi32, #tpu.memory_space<hbm>>) dst(%arg7 : memref<128xi32, #tpu.memory_space<vmem>>)
        %mul3A_96 = arith.constant 128 : i32
        %mul3A_97 = arith.muli %add3A_90, %mul3A_96 : i32
        %dma_wait3A_98 = arith.constant 0 : i32
        %dma_wait3A_99 = tpu.memref_slice %arg2[%mul3A_97, %dma_wait3A_98] : memref<160000x128xf32, #tpu.memory_space<hbm>> -> memref<128x128xf32, #tpu.memory_space<hbm>>
        %dma_wait3A_100 = arith.constant 0 : i32
        %dma_wait3A_101 = tpu.memref_slice %arg2[%mul3A_97, %dma_wait3A_100] : memref<160000x128xf32, #tpu.memory_space<hbm>> -> memref<128x128xf32, #tpu.memory_space<hbm>>
        tpu.wait_dma2 semaphore(%arg12 : memref<!tpu.dma_semaphore, #tpu.memory_space<semaphore_mem>>) src(%dma_wait3A_101 : memref<128x128xf32, #tpu.memory_space<hbm>>) dst(%arg9 : memref<128x128xf32, #tpu.memory_space<vmem>>)
      } else {
      }
      %add3A_67 = arith.constant 1 : i32
      %add3A_68 = arith.addi %add3A_58, %add3A_67 : i32
      %mul3A_69 = arith.constant 16 : i32
      %mul3A_70 = arith.muli %add3A_68, %mul3A_69 : i32
      %add3A_71 = arith.addi %mul3A_70, %arg1 : i32
      %lt3A_72 = arith.constant 625 : i32
      %lt3A_73 = arith.cmpi slt, %add3A_71, %lt3A_72 : i32
      %convert_element_type3A_74 = arith.extui %lt3A_73 : i1 to i32
      %cond3A_75 = arith.constant 0 : i32
      %cond3A_76 = arith.cmpi ne, %convert_element_type3A_74, %cond3A_75 : i32
      scf.if %cond3A_76 {
        %add3A_85 = arith.constant 1 : i32
        %add3A_86 = arith.addi %add3A_58, %add3A_85 : i32
        %mul3A_87 = arith.constant 625 : i32
        %mul3A_88 = arith.muli %arg0, %mul3A_87 : i32
        %mul3A_89 = arith.constant 16 : i32
        %mul3A_90 = arith.muli %add3A_86, %mul3A_89 : i32
        %add3A_91 = arith.addi %mul3A_88, %mul3A_90 : i32
        %add3A_92 = arith.addi %add3A_91, %arg1 : i32
        %dma_start3A_93 = arith.constant 0 : i32
        %dma_start3A_94 = tpu.memref_slice %arg3[%add3A_92, %dma_start3A_93] : memref<1250x128xi32, #tpu.memory_space<hbm>> -> memref<1x128xi32, #tpu.memory_space<hbm>>
        %dma_start3A_95 = tpu.memref_squeeze %dma_start3A_94 : memref<1x128xi32, #tpu.memory_space<hbm>> -> memref<128xi32, #tpu.memory_space<hbm>>
        %dma_start3A_96 = arith.constant 0 : i32
        %dma_start3A_97 = tpu.memref_slice %arg3[%add3A_92, %dma_start3A_96] : memref<1250x128xi32, #tpu.memory_space<hbm>> -> memref<1x128xi32, #tpu.memory_space<hbm>>
        %dma_start3A_98 = tpu.memref_squeeze %dma_start3A_97 : memref<1x128xi32, #tpu.memory_space<hbm>> -> memref<128xi32, #tpu.memory_space<hbm>>
        tpu.enqueue_dma source(%dma_start3A_98 : memref<128xi32, #tpu.memory_space<hbm>>) target(%arg6 : memref<128xi32, #tpu.memory_space<vmem>>) target_semaphore(%arg11 : memref<!tpu.dma_semaphore, #tpu.memory_space<semaphore_mem>>)
        %mul3A_99 = arith.constant 128 : i32
        %mul3A_100 = arith.muli %add3A_92, %mul3A_99 : i32
        %dma_start3A_101 = arith.constant 0 : i32
        %dma_start3A_102 = tpu.memref_slice %arg2[%mul3A_100, %dma_start3A_101] : memref<160000x128xf32, #tpu.memory_space<hbm>> -> memref<128x128xf32, #tpu.memory_space<hbm>>
        %dma_start3A_103 = arith.constant 0 : i32
        %dma_start3A_104 = tpu.memref_slice %arg2[%mul3A_100, %dma_start3A_103] : memref<160000x128xf32, #tpu.memory_space<hbm>> -> memref<128x128xf32, #tpu.memory_space<hbm>>
        tpu.enqueue_dma source(%dma_start3A_104 : memref<128x128xf32, #tpu.memory_space<hbm>>) target(%arg8 : memref<128x128xf32, #tpu.memory_space<vmem>>) target_semaphore(%arg11 : memref<!tpu.dma_semaphore, #tpu.memory_space<semaphore_mem>>)
      } else {
      }
      %mul3A_77 = arith.constant 16 : i32
      %mul3A_78 = arith.muli %add3A_58, %mul3A_77 : i32
      %add3A_79 = arith.addi %mul3A_78, %arg1 : i32
      %lt3A_80 = arith.constant 625 : i32
      %lt3A_81 = arith.cmpi slt, %add3A_79, %lt3A_80 : i32
      %convert_element_type3A_82 = arith.extui %lt3A_81 : i1 to i32
      %cond3A_83 = arith.constant 0 : i32
      %cond3A_84 = arith.cmpi ne, %convert_element_type3A_82, %cond3A_83 : i32
      scf.if %cond3A_84 {
        "tpu.region"() ({
          %run_scoped3A = tpu.sem_alloc : memref<!tpu.dma_semaphore, #tpu.memory_space<semaphore_mem>>
          %dma_start3A_85 = arith.constant 0 : i32
          %dma_start3A_86 = arith.constant 0 : i32
          %dma_start3A_87 = tpu.memref_slice %arg10[%dma_start3A_85, %dma_start3A_86] : memref<10000x128xf32, #tpu.memory_space<vmem_shared>> -> memref<10000x128xf32, #tpu.memory_space<vmem_shared>>
          tpu.enqueue_indirect_dma source(%arg9 : memref<128x128xf32, #tpu.memory_space<vmem>>) target(%dma_start3A_87 : memref<10000x128xf32, #tpu.memory_space<vmem_shared>>) offsets(%arg7 : memref<128xi32, #tpu.memory_space<vmem>>) semaphore(%run_scoped3A : memref<!tpu.dma_semaphore, #tpu.memory_space<semaphore_mem>>) {add = true}
          %dma_wait3A = arith.constant 0 : i32
          %dma_wait3A_88 = arith.constant 0 : i32
          %dma_wait3A_89 = tpu.memref_slice %arg10[%dma_wait3A, %dma_wait3A_88] : memref<10000x128xf32, #tpu.memory_space<vmem_shared>> -> memref<10000x128xf32, #tpu.memory_space<vmem_shared>>
          tpu.wait_indirect_dma semaphore(%run_scoped3A : memref<!tpu.dma_semaphore, #tpu.memory_space<semaphore_mem>>) src(%arg9 : memref<128x128xf32, #tpu.memory_space<vmem>>) dst(%dma_wait3A_89 : memref<10000x128xf32, #tpu.memory_space<vmem_shared>>)
          tpu.yield
        }) : () -> ()
      } else {
      }
    }
    %scan3A_20 = arith.constant 20 : i32
    %barrier3A_21 = arith.constant 0 : index
    tpu.barrier barrier_id(%barrier3A_21)
    %lt3A = arith.constant 10 : i32
    %lt3A_22 = arith.cmpi slt, %arg1, %lt3A : i32
    %convert_element_type3A_23 = arith.extui %lt3A_22 : i1 to i32
    %cond3A_24 = arith.constant 0 : i32
    %cond3A_25 = arith.cmpi ne, %convert_element_type3A_23, %cond3A_24 : i32
    scf.if %cond3A_25 {
      %mul3A_26 = arith.constant 1000 : i32
      %mul3A_27 = arith.muli %arg1, %mul3A_26 : i32
      %mul3A_28 = arith.constant 1000 : i32
      %mul3A_29 = arith.muli %arg1, %mul3A_28 : i32
      "tpu.region"() ({
        %run_scoped3A = tpu.sem_alloc : memref<!tpu.dma_semaphore, #tpu.memory_space<semaphore_mem>>
        %dma_start3A_30 = arith.constant 0 : i32
        %dma_start3A_31 = tpu.memref_slice %arg5[%arg0, %mul3A_29, %dma_start3A_30] : memref<2x10000x128xf32, #tpu.memory_space<hbm>> -> memref<1x1000x128xf32, #tpu.memory_space<hbm>>
        %dma_start3A_32 = tpu.memref_squeeze %dma_start3A_31 : memref<1x1000x128xf32, #tpu.memory_space<hbm>> -> memref<1000x128xf32, #tpu.memory_space<hbm>>
        %dma_start3A_33 = arith.constant 0 : i32
        %dma_start3A_34 = tpu.memref_slice %arg10[%mul3A_27, %dma_start3A_33] : memref<10000x128xf32, #tpu.memory_space<vmem_shared>> -> memref<1000x128xf32, #tpu.memory_space<vmem_shared>>
        tpu.enqueue_dma source(%dma_start3A_34 : memref<1000x128xf32, #tpu.memory_space<vmem_shared>>) target(%dma_start3A_32 : memref<1000x128xf32, #tpu.memory_space<hbm>>) target_semaphore(%run_scoped3A : memref<!tpu.dma_semaphore, #tpu.memory_space<semaphore_mem>>)
        %dma_wait3A = arith.constant 0 : i32
        %dma_wait3A_35 = tpu.memref_slice %arg5[%arg0, %mul3A_29, %dma_wait3A] : memref<2x10000x128xf32, #tpu.memory_space<hbm>> -> memref<1x1000x128xf32, #tpu.memory_space<hbm>>
        %dma_wait3A_36 = tpu.memref_squeeze %dma_wait3A_35 : memref<1x1000x128xf32, #tpu.memory_space<hbm>> -> memref<1000x128xf32, #tpu.memory_space<hbm>>
        %dma_wait3A_37 = arith.constant 0 : i32
        %dma_wait3A_38 = tpu.memref_slice %arg10[%mul3A_27, %dma_wait3A_37] : memref<10000x128xf32, #tpu.memory_space<vmem_shared>> -> memref<1000x128xf32, #tpu.memory_space<vmem_shared>>
        tpu.wait_dma2 semaphore(%run_scoped3A : memref<!tpu.dma_semaphore, #tpu.memory_space<semaphore_mem>>) src(%dma_wait3A_38 : memref<1000x128xf32, #tpu.memory_space<vmem_shared>>) dst(%dma_wait3A_36 : memref<1000x128xf32, #tpu.memory_space<hbm>>)
        tpu.yield
      }) : () -> ()
    } else {
    }
    return
  }
}

#map = affine_map<(d0, d1) -> (0, 0)>
#map1 = affine_map<(d0, d1) -> (0)>
module attributes {stable_mosaic.version = 14 : i64} {
  func.func @_gather_body(%arg0: i32, %arg1: i32, %arg2: memref<10000x128xf32, #tpu.memory_space<hbm>>, %arg3: memref<480000xi32, #tpu.memory_space<hbm>>, %arg4: memref<480000x128xf32, #tpu.memory_space<hbm>>, %arg5: memref<15000xi32, #tpu.memory_space<vmem>>, %arg6: memref<120x128xf32, #tpu.memory_space<vmem>>, %arg7: memref<120x128xf32, #tpu.memory_space<vmem>>, %arg8: memref<10000x128xf32, #tpu.memory_space<vmem_shared>>, %arg9: memref<!tpu.dma_semaphore, #tpu.memory_space<semaphore_mem>>, %arg10: memref<!tpu.dma_semaphore, #tpu.memory_space<semaphore_mem>>, %arg11: memref<!tpu.dma_semaphore, #tpu.memory_space<semaphore_mem>>, %arg12: memref<!tpu.dma_semaphore, #tpu.memory_space<semaphore_mem>>) attributes {dimension_semantics = [#tpu.dimension_semantics<core_parallel>, #tpu.dimension_semantics<subcore_parallel>], iteration_bounds = array<i64: 2, 16>, scalar_prefetch = 0 : i64, scratch_operands = 8 : i64, tpu.core_type = #tpu.core_type<sc_vector_subcore>, window_params = [{transform_indices = #map}, {transform_indices = #map1}, {transform_indices = #map}]} {
    %mul3A = arith.constant 2 : i32
    %mul3A_0 = arith.muli %arg1, %mul3A : i32
    %add3A = arith.addi %mul3A_0, %arg0 : i32
    %mul3A_1 = arith.constant 15000 : i32
    %mul3A_2 = arith.muli %add3A, %mul3A_1 : i32
    %lt3A = arith.constant 10 : i32
    %lt3A_3 = arith.cmpi slt, %arg1, %lt3A : i32
    %convert_element_type3A = arith.extui %lt3A_3 : i1 to i32
    %cond3A = arith.constant 0 : i32
    %cond3A_4 = arith.cmpi ne, %convert_element_type3A, %cond3A : i32
    scf.if %cond3A_4 {
      %mul3A_35 = arith.constant 1000 : i32
      %mul3A_36 = arith.muli %arg1, %mul3A_35 : i32
      %mul3A_37 = arith.constant 1000 : i32
      %mul3A_38 = arith.muli %arg1, %mul3A_37 : i32
      "tpu.region"() ({
        %run_scoped3A = tpu.sem_alloc : memref<!tpu.dma_semaphore, #tpu.memory_space<semaphore_mem>>
        %dma_start3A_39 = arith.constant 0 : i32
        %dma_start3A_40 = tpu.memref_slice %arg8[%mul3A_38, %dma_start3A_39] : memref<10000x128xf32, #tpu.memory_space<vmem_shared>> -> memref<1000x128xf32, #tpu.memory_space<vmem_shared>>
        %dma_start3A_41 = arith.constant 0 : i32
        %dma_start3A_42 = tpu.memref_slice %arg2[%mul3A_36, %dma_start3A_41] : memref<10000x128xf32, #tpu.memory_space<hbm>> -> memref<1000x128xf32, #tpu.memory_space<hbm>>
        tpu.enqueue_dma source(%dma_start3A_42 : memref<1000x128xf32, #tpu.memory_space<hbm>>) target(%dma_start3A_40 : memref<1000x128xf32, #tpu.memory_space<vmem_shared>>) target_semaphore(%run_scoped3A : memref<!tpu.dma_semaphore, #tpu.memory_space<semaphore_mem>>)
        %dma_wait3A_43 = arith.constant 0 : i32
        %dma_wait3A_44 = tpu.memref_slice %arg8[%mul3A_38, %dma_wait3A_43] : memref<10000x128xf32, #tpu.memory_space<vmem_shared>> -> memref<1000x128xf32, #tpu.memory_space<vmem_shared>>
        %dma_wait3A_45 = arith.constant 0 : i32
        %dma_wait3A_46 = tpu.memref_slice %arg2[%mul3A_36, %dma_wait3A_45] : memref<10000x128xf32, #tpu.memory_space<hbm>> -> memref<1000x128xf32, #tpu.memory_space<hbm>>
        tpu.wait_dma2 semaphore(%run_scoped3A : memref<!tpu.dma_semaphore, #tpu.memory_space<semaphore_mem>>) src(%dma_wait3A_46 : memref<1000x128xf32, #tpu.memory_space<hbm>>) dst(%dma_wait3A_44 : memref<1000x128xf32, #tpu.memory_space<vmem_shared>>)
        tpu.yield
      }) : () -> ()
    } else {
    }
    "tpu.region"() ({
      %run_scoped3A = tpu.sem_alloc : memref<!tpu.dma_semaphore, #tpu.memory_space<semaphore_mem>>
      %dma_start3A_35 = tpu.memref_slice %arg3[%mul3A_2] : memref<480000xi32, #tpu.memory_space<hbm>> -> memref<15000xi32, #tpu.memory_space<hbm>>
      %dma_start3A_36 = tpu.memref_slice %arg3[%mul3A_2] : memref<480000xi32, #tpu.memory_space<hbm>> -> memref<15000xi32, #tpu.memory_space<hbm>>
      tpu.enqueue_dma source(%dma_start3A_36 : memref<15000xi32, #tpu.memory_space<hbm>>) target(%arg5 : memref<15000xi32, #tpu.memory_space<vmem>>) target_semaphore(%run_scoped3A : memref<!tpu.dma_semaphore, #tpu.memory_space<semaphore_mem>>)
      %dma_wait3A_37 = tpu.memref_slice %arg3[%mul3A_2] : memref<480000xi32, #tpu.memory_space<hbm>> -> memref<15000xi32, #tpu.memory_space<hbm>>
      %dma_wait3A_38 = tpu.memref_slice %arg3[%mul3A_2] : memref<480000xi32, #tpu.memory_space<hbm>> -> memref<15000xi32, #tpu.memory_space<hbm>>
      tpu.wait_dma2 semaphore(%run_scoped3A : memref<!tpu.dma_semaphore, #tpu.memory_space<semaphore_mem>>) src(%dma_wait3A_38 : memref<15000xi32, #tpu.memory_space<hbm>>) dst(%arg5 : memref<15000xi32, #tpu.memory_space<vmem>>)
      tpu.yield
    }) : () -> ()
    %barrier3A = arith.constant 0 : index
    tpu.barrier barrier_id(%barrier3A)
    %dma_start3A = arith.constant 0 : i32
    %dma_start3A_5 = tpu.memref_slice %arg5[%dma_start3A] : memref<15000xi32, #tpu.memory_space<vmem>> -> memref<120xi32, #tpu.memory_space<vmem>>
    %dma_start3A_6 = arith.constant 0 : i32
    %dma_start3A_7 = arith.constant 0 : i32
    %dma_start3A_8 = tpu.memref_slice %arg8[%dma_start3A_6, %dma_start3A_7] : memref<10000x128xf32, #tpu.memory_space<vmem_shared>> -> memref<10000x128xf32, #tpu.memory_space<vmem_shared>>
    tpu.enqueue_indirect_dma source(%dma_start3A_8 : memref<10000x128xf32, #tpu.memory_space<vmem_shared>>) target(%arg6 : memref<120x128xf32, #tpu.memory_space<vmem>>) offsets(%dma_start3A_5 : memref<120xi32, #tpu.memory_space<vmem>>) semaphore(%arg9 : memref<!tpu.dma_semaphore, #tpu.memory_space<semaphore_mem>>)
    %dma_start3A_9 = arith.constant 120 : i32
    %dma_start3A_10 = tpu.memref_slice %arg5[%dma_start3A_9] : memref<15000xi32, #tpu.memory_space<vmem>> -> memref<120xi32, #tpu.memory_space<vmem>>
    %dma_start3A_11 = arith.constant 0 : i32
    %dma_start3A_12 = arith.constant 0 : i32
    %dma_start3A_13 = tpu.memref_slice %arg8[%dma_start3A_11, %dma_start3A_12] : memref<10000x128xf32, #tpu.memory_space<vmem_shared>> -> memref<10000x128xf32, #tpu.memory_space<vmem_shared>>
    tpu.enqueue_indirect_dma source(%dma_start3A_13 : memref<10000x128xf32, #tpu.memory_space<vmem_shared>>) target(%arg7 : memref<120x128xf32, #tpu.memory_space<vmem>>) offsets(%dma_start3A_10 : memref<120xi32, #tpu.memory_space<vmem>>) semaphore(%arg10 : memref<!tpu.dma_semaphore, #tpu.memory_space<semaphore_mem>>)
    %scan3A = arith.constant 0 : i32
    %scan3A_14 = arith.constant 0 : i32
    %scan3A_15 = arith.constant 62 : i32
    %scan3A_16 = arith.addi %scan3A_14, %scan3A_15 : i32
    %scan3A_17 = arith.constant 1 : i32
    scf.for %scan3A_35 = %scan3A_14 to %scan3A_16 step %scan3A_17  : i32 {
      %mul3A_36 = arith.constant 2 : i32
      %mul3A_37 = arith.muli %scan3A_35, %mul3A_36 : i32
      %add3A_38 = arith.constant 0 : i32
      %add3A_39 = arith.addi %mul3A_37, %add3A_38 : i32
      %mul3A_40 = arith.constant 120 : i32
      %mul3A_41 = arith.muli %add3A_39, %mul3A_40 : i32
      %dma_wait3A_42 = tpu.memref_slice %arg5[%mul3A_41] : memref<15000xi32, #tpu.memory_space<vmem>> -> memref<120xi32, #tpu.memory_space<vmem>>
      %dma_wait3A_43 = arith.constant 0 : i32
      %dma_wait3A_44 = arith.constant 0 : i32
      %dma_wait3A_45 = tpu.memref_slice %arg8[%dma_wait3A_43, %dma_wait3A_44] : memref<10000x128xf32, #tpu.memory_space<vmem_shared>> -> memref<10000x128xf32, #tpu.memory_space<vmem_shared>>
      tpu.wait_indirect_dma semaphore(%arg9 : memref<!tpu.dma_semaphore, #tpu.memory_space<semaphore_mem>>) src(%dma_wait3A_45 : memref<10000x128xf32, #tpu.memory_space<vmem_shared>>) dst(%arg6 : memref<120x128xf32, #tpu.memory_space<vmem>>)
      %mul3A_46 = arith.constant 120 : i32
      %mul3A_47 = arith.muli %add3A_39, %mul3A_46 : i32
      %add3A_48 = arith.addi %mul3A_2, %mul3A_47 : i32
      %dma_start3A_49 = arith.constant 0 : i32
      %dma_start3A_50 = tpu.memref_slice %arg4[%add3A_48, %dma_start3A_49] : memref<480000x128xf32, #tpu.memory_space<hbm>> -> memref<120x128xf32, #tpu.memory_space<hbm>>
      %dma_start3A_51 = arith.constant 0 : i32
      %dma_start3A_52 = tpu.memref_slice %arg4[%add3A_48, %dma_start3A_51] : memref<480000x128xf32, #tpu.memory_space<hbm>> -> memref<120x128xf32, #tpu.memory_space<hbm>>
      tpu.enqueue_dma source(%arg6 : memref<120x128xf32, #tpu.memory_space<vmem>>) target(%dma_start3A_52 : memref<120x128xf32, #tpu.memory_space<hbm>>) target_semaphore(%arg11 : memref<!tpu.dma_semaphore, #tpu.memory_space<semaphore_mem>>)
      %add3A_53 = arith.constant 1 : i32
      %add3A_54 = arith.addi %mul3A_37, %add3A_53 : i32
      %mul3A_55 = arith.constant 120 : i32
      %mul3A_56 = arith.muli %add3A_54, %mul3A_55 : i32
      %dma_wait3A_57 = tpu.memref_slice %arg5[%mul3A_56] : memref<15000xi32, #tpu.memory_space<vmem>> -> memref<120xi32, #tpu.memory_space<vmem>>
      %dma_wait3A_58 = arith.constant 0 : i32
      %dma_wait3A_59 = arith.constant 0 : i32
      %dma_wait3A_60 = tpu.memref_slice %arg8[%dma_wait3A_58, %dma_wait3A_59] : memref<10000x128xf32, #tpu.memory_space<vmem_shared>> -> memref<10000x128xf32, #tpu.memory_space<vmem_shared>>
      tpu.wait_indirect_dma semaphore(%arg10 : memref<!tpu.dma_semaphore, #tpu.memory_space<semaphore_mem>>) src(%dma_wait3A_60 : memref<10000x128xf32, #tpu.memory_space<vmem_shared>>) dst(%arg7 : memref<120x128xf32, #tpu.memory_space<vmem>>)
      %mul3A_61 = arith.constant 120 : i32
      %mul3A_62 = arith.muli %add3A_54, %mul3A_61 : i32
      %add3A_63 = arith.addi %mul3A_2, %mul3A_62 : i32
      %dma_start3A_64 = arith.constant 0 : i32
      %dma_start3A_65 = tpu.memref_slice %arg4[%add3A_63, %dma_start3A_64] : memref<480000x128xf32, #tpu.memory_space<hbm>> -> memref<120x128xf32, #tpu.memory_space<hbm>>
      %dma_start3A_66 = arith.constant 0 : i32
      %dma_start3A_67 = tpu.memref_slice %arg4[%add3A_63, %dma_start3A_66] : memref<480000x128xf32, #tpu.memory_space<hbm>> -> memref<120x128xf32, #tpu.memory_space<hbm>>
      tpu.enqueue_dma source(%arg7 : memref<120x128xf32, #tpu.memory_space<vmem>>) target(%dma_start3A_67 : memref<120x128xf32, #tpu.memory_space<hbm>>) target_semaphore(%arg12 : memref<!tpu.dma_semaphore, #tpu.memory_space<semaphore_mem>>)
      %add3A_68 = arith.constant 0 : i32
      %add3A_69 = arith.addi %mul3A_37, %add3A_68 : i32
      %mul3A_70 = arith.constant 120 : i32
      %mul3A_71 = arith.muli %add3A_69, %mul3A_70 : i32
      %add3A_72 = arith.addi %mul3A_2, %mul3A_71 : i32
      %dma_wait3A_73 = arith.constant 0 : i32
      %dma_wait3A_74 = tpu.memref_slice %arg4[%add3A_72, %dma_wait3A_73] : memref<480000x128xf32, #tpu.memory_space<hbm>> -> memref<120x128xf32, #tpu.memory_space<hbm>>
      %dma_wait3A_75 = arith.constant 0 : i32
      %dma_wait3A_76 = tpu.memref_slice %arg4[%add3A_72, %dma_wait3A_75] : memref<480000x128xf32, #tpu.memory_space<hbm>> -> memref<120x128xf32, #tpu.memory_space<hbm>>
      tpu.wait_dma2 semaphore(%arg11 : memref<!tpu.dma_semaphore, #tpu.memory_space<semaphore_mem>>) src(%arg6 : memref<120x128xf32, #tpu.memory_space<vmem>>) dst(%dma_wait3A_76 : memref<120x128xf32, #tpu.memory_space<hbm>>)
      %add3A_77 = arith.constant 2 : i32
      %add3A_78 = arith.addi %add3A_69, %add3A_77 : i32
      %lt3A_79 = arith.constant 125 : i32
      %lt3A_80 = arith.cmpi slt, %add3A_78, %lt3A_79 : i32
      %convert_element_type3A_81 = arith.extui %lt3A_80 : i1 to i32
      %cond3A_82 = arith.constant 0 : i32
      %cond3A_83 = arith.cmpi ne, %convert_element_type3A_81, %cond3A_82 : i32
      scf.if %cond3A_83 {
        %add3A_100 = arith.constant 2 : i32
        %add3A_101 = arith.addi %add3A_69, %add3A_100 : i32
        %mul3A_102 = arith.constant 120 : i32
        %mul3A_103 = arith.muli %add3A_101, %mul3A_102 : i32
        %dma_start3A_104 = tpu.memref_slice %arg5[%mul3A_103] : memref<15000xi32, #tpu.memory_space<vmem>> -> memref<120xi32, #tpu.memory_space<vmem>>
        %dma_start3A_105 = arith.constant 0 : i32
        %dma_start3A_106 = arith.constant 0 : i32
        %dma_start3A_107 = tpu.memref_slice %arg8[%dma_start3A_105, %dma_start3A_106] : memref<10000x128xf32, #tpu.memory_space<vmem_shared>> -> memref<10000x128xf32, #tpu.memory_space<vmem_shared>>
        tpu.enqueue_indirect_dma source(%dma_start3A_107 : memref<10000x128xf32, #tpu.memory_space<vmem_shared>>) target(%arg6 : memref<120x128xf32, #tpu.memory_space<vmem>>) offsets(%dma_start3A_104 : memref<120xi32, #tpu.memory_space<vmem>>) semaphore(%arg9 : memref<!tpu.dma_semaphore, #tpu.memory_space<semaphore_mem>>)
      } else {
      }
      %add3A_84 = arith.constant 1 : i32
      %add3A_85 = arith.addi %mul3A_37, %add3A_84 : i32
      %mul3A_86 = arith.constant 120 : i32
      %mul3A_87 = arith.muli %add3A_85, %mul3A_86 : i32
      %add3A_88 = arith.addi %mul3A_2, %mul3A_87 : i32
      %dma_wait3A_89 = arith.constant 0 : i32
      %dma_wait3A_90 = tpu.memref_slice %arg4[%add3A_88, %dma_wait3A_89] : memref<480000x128xf32, #tpu.memory_space<hbm>> -> memref<120x128xf32, #tpu.memory_space<hbm>>
      %dma_wait3A_91 = arith.constant 0 : i32
      %dma_wait3A_92 = tpu.memref_slice %arg4[%add3A_88, %dma_wait3A_91] : memref<480000x128xf32, #tpu.memory_space<hbm>> -> memref<120x128xf32, #tpu.memory_space<hbm>>
      tpu.wait_dma2 semaphore(%arg12 : memref<!tpu.dma_semaphore, #tpu.memory_space<semaphore_mem>>) src(%arg7 : memref<120x128xf32, #tpu.memory_space<vmem>>) dst(%dma_wait3A_92 : memref<120x128xf32, #tpu.memory_space<hbm>>)
      %add3A_93 = arith.constant 2 : i32
      %add3A_94 = arith.addi %add3A_85, %add3A_93 : i32
      %lt3A_95 = arith.constant 125 : i32
      %lt3A_96 = arith.cmpi slt, %add3A_94, %lt3A_95 : i32
      %convert_element_type3A_97 = arith.extui %lt3A_96 : i1 to i32
      %cond3A_98 = arith.constant 0 : i32
      %cond3A_99 = arith.cmpi ne, %convert_element_type3A_97, %cond3A_98 : i32
      scf.if %cond3A_99 {
        %add3A_100 = arith.constant 2 : i32
        %add3A_101 = arith.addi %add3A_85, %add3A_100 : i32
        %mul3A_102 = arith.constant 120 : i32
        %mul3A_103 = arith.muli %add3A_101, %mul3A_102 : i32
        %dma_start3A_104 = tpu.memref_slice %arg5[%mul3A_103] : memref<15000xi32, #tpu.memory_space<vmem>> -> memref<120xi32, #tpu.memory_space<vmem>>
        %dma_start3A_105 = arith.constant 0 : i32
        %dma_start3A_106 = arith.constant 0 : i32
        %dma_start3A_107 = tpu.memref_slice %arg8[%dma_start3A_105, %dma_start3A_106] : memref<10000x128xf32, #tpu.memory_space<vmem_shared>> -> memref<10000x128xf32, #tpu.memory_space<vmem_shared>>
        tpu.enqueue_indirect_dma source(%dma_start3A_107 : memref<10000x128xf32, #tpu.memory_space<vmem_shared>>) target(%arg7 : memref<120x128xf32, #tpu.memory_space<vmem>>) offsets(%dma_start3A_104 : memref<120xi32, #tpu.memory_space<vmem>>) semaphore(%arg10 : memref<!tpu.dma_semaphore, #tpu.memory_space<semaphore_mem>>)
      } else {
      }
    }
    %scan3A_18 = arith.constant 62 : i32
    %dma_wait3A = arith.constant 14880 : i32
    %dma_wait3A_19 = tpu.memref_slice %arg5[%dma_wait3A] : memref<15000xi32, #tpu.memory_space<vmem>> -> memref<120xi32, #tpu.memory_space<vmem>>
    %dma_wait3A_20 = arith.constant 0 : i32
    %dma_wait3A_21 = arith.constant 0 : i32
    %dma_wait3A_22 = tpu.memref_slice %arg8[%dma_wait3A_20, %dma_wait3A_21] : memref<10000x128xf32, #tpu.memory_space<vmem_shared>> -> memref<10000x128xf32, #tpu.memory_space<vmem_shared>>
    tpu.wait_indirect_dma semaphore(%arg9 : memref<!tpu.dma_semaphore, #tpu.memory_space<semaphore_mem>>) src(%dma_wait3A_22 : memref<10000x128xf32, #tpu.memory_space<vmem_shared>>) dst(%arg6 : memref<120x128xf32, #tpu.memory_space<vmem>>)
    %add3A_23 = arith.constant 14880 : i32
    %add3A_24 = arith.addi %mul3A_2, %add3A_23 : i32
    %dma_start3A_25 = arith.constant 0 : i32
    %dma_start3A_26 = tpu.memref_slice %arg4[%add3A_24, %dma_start3A_25] : memref<480000x128xf32, #tpu.memory_space<hbm>> -> memref<120x128xf32, #tpu.memory_space<hbm>>
    %dma_start3A_27 = arith.constant 0 : i32
    %dma_start3A_28 = tpu.memref_slice %arg4[%add3A_24, %dma_start3A_27] : memref<480000x128xf32, #tpu.memory_space<hbm>> -> memref<120x128xf32, #tpu.memory_space<hbm>>
    tpu.enqueue_dma source(%arg6 : memref<120x128xf32, #tpu.memory_space<vmem>>) target(%dma_start3A_28 : memref<120x128xf32, #tpu.memory_space<hbm>>) target_semaphore(%arg11 : memref<!tpu.dma_semaphore, #tpu.memory_space<semaphore_mem>>)
    %add3A_29 = arith.constant 14880 : i32
    %add3A_30 = arith.addi %mul3A_2, %add3A_29 : i32
    %dma_wait3A_31 = arith.constant 0 : i32
    %dma_wait3A_32 = tpu.memref_slice %arg4[%add3A_30, %dma_wait3A_31] : memref<480000x128xf32, #tpu.memory_space<hbm>> -> memref<120x128xf32, #tpu.memory_space<hbm>>
    %dma_wait3A_33 = arith.constant 0 : i32
    %dma_wait3A_34 = tpu.memref_slice %arg4[%add3A_30, %dma_wait3A_33] : memref<480000x128xf32, #tpu.memory_space<hbm>> -> memref<120x128xf32, #tpu.memory_space<hbm>>
    tpu.wait_dma2 semaphore(%arg11 : memref<!tpu.dma_semaphore, #tpu.memory_space<semaphore_mem>>) src(%arg6 : memref<120x128xf32, #tpu.memory_space<vmem>>) dst(%dma_wait3A_34 : memref<120x128xf32, #tpu.memory_space<hbm>>)
    return
  }
}

#map = affine_map<(d0, d1) -> (0, 0)>
#map1 = affine_map<(d0, d1) -> (0, 0, 0)>
module attributes {stable_mosaic.version = 14 : i64} {
  func.func @_scatter_body(%arg0: i32, %arg1: i32, %arg2: memref<160000x128xf32, #tpu.memory_space<hbm>>, %arg3: memref<1250x128xi32, #tpu.memory_space<hbm>>, %arg4: memref<10000x128xf32, #tpu.memory_space<hbm>>, %arg5: memref<2x10000x128xf32, #tpu.memory_space<hbm>>, %arg6: memref<128xi32, #tpu.memory_space<vmem>>, %arg7: memref<128xi32, #tpu.memory_space<vmem>>, %arg8: memref<128x128xf32, #tpu.memory_space<vmem>>, %arg9: memref<128x128xf32, #tpu.memory_space<vmem>>, %arg10: memref<10000x128xf32, #tpu.memory_space<vmem_shared>>, %arg11: memref<!tpu.dma_semaphore, #tpu.memory_space<semaphore_mem>>, %arg12: memref<!tpu.dma_semaphore, #tpu.memory_space<semaphore_mem>>) attributes {dimension_semantics = [#tpu.dimension_semantics<core_parallel>, #tpu.dimension_semantics<subcore_parallel>], iteration_bounds = array<i64: 2, 16>, scalar_prefetch = 0 : i64, scratch_operands = 7 : i64, tpu.core_type = #tpu.core_type<sc_vector_subcore>, window_params = [{transform_indices = #map}, {transform_indices = #map}, {transform_indices = #map}, {transform_indices = #map1}]} {
    %eq3A = arith.constant 0 : i32
    %eq3A_0 = arith.cmpi eq, %arg1, %eq3A : i32
    %convert_element_type3A = arith.extui %eq3A_0 : i1 to i32
    %cond3A = arith.constant 0 : i32
    %cond3A_1 = arith.cmpi ne, %convert_element_type3A, %cond3A : i32
    scf.if %cond3A_1 {
      "tpu.region"() ({
        %run_scoped3A = tpu.sem_alloc : memref<!tpu.dma_semaphore, #tpu.memory_space<semaphore_mem>>
        tpu.enqueue_dma source(%arg4 : memref<10000x128xf32, #tpu.memory_space<hbm>>) target(%arg10 : memref<10000x128xf32, #tpu.memory_space<vmem_shared>>) target_semaphore(%run_scoped3A : memref<!tpu.dma_semaphore, #tpu.memory_space<semaphore_mem>>)
        tpu.wait_dma2 semaphore(%run_scoped3A : memref<!tpu.dma_semaphore, #tpu.memory_space<semaphore_mem>>) src(%arg4 : memref<10000x128xf32, #tpu.memory_space<hbm>>) dst(%arg10 : memref<10000x128xf32, #tpu.memory_space<vmem_shared>>)
        tpu.yield
      }) : () -> ()
    } else {
    }
    %barrier3A = arith.constant 0 : index
    tpu.barrier barrier_id(%barrier3A)
    %mul3A = arith.constant 625 : i32
    %mul3A_2 = arith.muli %arg0, %mul3A : i32
    %add3A = arith.constant 0 : i32
    %add3A_3 = arith.addi %mul3A_2, %add3A : i32
    %add3A_4 = arith.addi %add3A_3, %arg1 : i32
    %dma_start3A = arith.constant 0 : i32
    %dma_start3A_5 = tpu.memref_slice %arg3[%add3A_4, %dma_start3A] : memref<1250x128xi32, #tpu.memory_space<hbm>> -> memref<1x128xi32, #tpu.memory_space<hbm>>
    %dma_start3A_6 = tpu.memref_squeeze %dma_start3A_5 : memref<1x128xi32, #tpu.memory_space<hbm>> -> memref<128xi32, #tpu.memory_space<hbm>>
    %dma_start3A_7 = arith.constant 0 : i32
    %dma_start3A_8 = tpu.memref_slice %arg3[%add3A_4, %dma_start3A_7] : memref<1250x128xi32, #tpu.memory_space<hbm>> -> memref<1x128xi32, #tpu.memory_space<hbm>>
    %dma_start3A_9 = tpu.memref_squeeze %dma_start3A_8 : memref<1x128xi32, #tpu.memory_space<hbm>> -> memref<128xi32, #tpu.memory_space<hbm>>
    tpu.enqueue_dma source(%dma_start3A_9 : memref<128xi32, #tpu.memory_space<hbm>>) target(%arg6 : memref<128xi32, #tpu.memory_space<vmem>>) target_semaphore(%arg11 : memref<!tpu.dma_semaphore, #tpu.memory_space<semaphore_mem>>)
    %mul3A_10 = arith.constant 128 : i32
    %mul3A_11 = arith.muli %add3A_4, %mul3A_10 : i32
    %dma_start3A_12 = arith.constant 0 : i32
    %dma_start3A_13 = tpu.memref_slice %arg2[%mul3A_11, %dma_start3A_12] : memref<160000x128xf32, #tpu.memory_space<hbm>> -> memref<128x128xf32, #tpu.memory_space<hbm>>
    %dma_start3A_14 = arith.constant 0 : i32
    %dma_start3A_15 = tpu.memref_slice %arg2[%mul3A_11, %dma_start3A_14] : memref<160000x128xf32, #tpu.memory_space<hbm>> -> memref<128x128xf32, #tpu.memory_space<hbm>>
    tpu.enqueue_dma source(%dma_start3A_15 : memref<128x128xf32, #tpu.memory_space<hbm>>) target(%arg8 : memref<128x128xf32, #tpu.memory_space<vmem>>) target_semaphore(%arg11 : memref<!tpu.dma_semaphore, #tpu.memory_space<semaphore_mem>>)
    %scan3A = arith.constant 0 : i32
    %scan3A_16 = arith.constant 0 : i32
    %scan3A_17 = arith.constant 20 : i32
    %scan3A_18 = arith.addi %scan3A_16, %scan3A_17 : i32
    %scan3A_19 = arith.constant 1 : i32
    scf.for %scan3A_26 = %scan3A_16 to %scan3A_18 step %scan3A_19  : i32 {
      %mul3A_27 = arith.constant 2 : i32
      %mul3A_28 = arith.muli %scan3A_26, %mul3A_27 : i32
      %add3A_29 = arith.constant 0 : i32
      %add3A_30 = arith.addi %mul3A_28, %add3A_29 : i32
      %mul3A_31 = arith.constant 16 : i32
      %mul3A_32 = arith.muli %add3A_30, %mul3A_31 : i32
      %add3A_33 = arith.addi %mul3A_32, %arg1 : i32
      %lt3A_34 = arith.constant 625 : i32
      %lt3A_35 = arith.cmpi slt, %add3A_33, %lt3A_34 : i32
      %convert_element_type3A_36 = arith.extui %lt3A_35 : i1 to i32
      %cond3A_37 = arith.constant 0 : i32
      %cond3A_38 = arith.cmpi ne, %convert_element_type3A_36, %cond3A_37 : i32
      scf.if %cond3A_38 {
        %mul3A_85 = arith.constant 625 : i32
        %mul3A_86 = arith.muli %arg0, %mul3A_85 : i32
        %mul3A_87 = arith.constant 16 : i32
        %mul3A_88 = arith.muli %add3A_30, %mul3A_87 : i32
        %add3A_89 = arith.addi %mul3A_86, %mul3A_88 : i32
        %add3A_90 = arith.addi %add3A_89, %arg1 : i32
        %dma_wait3A = arith.constant 0 : i32
        %dma_wait3A_91 = tpu.memref_slice %arg3[%add3A_90, %dma_wait3A] : memref<1250x128xi32, #tpu.memory_space<hbm>> -> memref<1x128xi32, #tpu.memory_space<hbm>>
        %dma_wait3A_92 = tpu.memref_squeeze %dma_wait3A_91 : memref<1x128xi32, #tpu.memory_space<hbm>> -> memref<128xi32, #tpu.memory_space<hbm>>
        %dma_wait3A_93 = arith.constant 0 : i32
        %dma_wait3A_94 = tpu.memref_slice %arg3[%add3A_90, %dma_wait3A_93] : memref<1250x128xi32, #tpu.memory_space<hbm>> -> memref<1x128xi32, #tpu.memory_space<hbm>>
        %dma_wait3A_95 = tpu.memref_squeeze %dma_wait3A_94 : memref<1x128xi32, #tpu.memory_space<hbm>> -> memref<128xi32, #tpu.memory_space<hbm>>
        tpu.wait_dma2 semaphore(%arg11 : memref<!tpu.dma_semaphore, #tpu.memory_space<semaphore_mem>>) src(%dma_wait3A_95 : memref<128xi32, #tpu.memory_space<hbm>>) dst(%arg6 : memref<128xi32, #tpu.memory_space<vmem>>)
        %mul3A_96 = arith.constant 128 : i32
        %mul3A_97 = arith.muli %add3A_90, %mul3A_96 : i32
        %dma_wait3A_98 = arith.constant 0 : i32
        %dma_wait3A_99 = tpu.memref_slice %arg2[%mul3A_97, %dma_wait3A_98] : memref<160000x128xf32, #tpu.memory_space<hbm>> -> memref<128x128xf32, #tpu.memory_space<hbm>>
        %dma_wait3A_100 = arith.constant 0 : i32
        %dma_wait3A_101 = tpu.memref_slice %arg2[%mul3A_97, %dma_wait3A_100] : memref<160000x128xf32, #tpu.memory_space<hbm>> -> memref<128x128xf32, #tpu.memory_space<hbm>>
        tpu.wait_dma2 semaphore(%arg11 : memref<!tpu.dma_semaphore, #tpu.memory_space<semaphore_mem>>) src(%dma_wait3A_101 : memref<128x128xf32, #tpu.memory_space<hbm>>) dst(%arg8 : memref<128x128xf32, #tpu.memory_space<vmem>>)
      } else {
      }
      %add3A_39 = arith.constant 1 : i32
      %add3A_40 = arith.addi %add3A_30, %add3A_39 : i32
      %mul3A_41 = arith.constant 16 : i32
      %mul3A_42 = arith.muli %add3A_40, %mul3A_41 : i32
      %add3A_43 = arith.addi %mul3A_42, %arg1 : i32
      %lt3A_44 = arith.constant 625 : i32
      %lt3A_45 = arith.cmpi slt, %add3A_43, %lt3A_44 : i32
      %convert_element_type3A_46 = arith.extui %lt3A_45 : i1 to i32
      %cond3A_47 = arith.constant 0 : i32
      %cond3A_48 = arith.cmpi ne, %convert_element_type3A_46, %cond3A_47 : i32
      scf.if %cond3A_48 {
        %add3A_85 = arith.constant 1 : i32
        %add3A_86 = arith.addi %add3A_30, %add3A_85 : i32
        %mul3A_87 = arith.constant 625 : i32
        %mul3A_88 = arith.muli %arg0, %mul3A_87 : i32
        %mul3A_89 = arith.constant 16 : i32
        %mul3A_90 = arith.muli %add3A_86, %mul3A_89 : i32
        %add3A_91 = arith.addi %mul3A_88, %mul3A_90 : i32
        %add3A_92 = arith.addi %add3A_91, %arg1 : i32
        %dma_start3A_93 = arith.constant 0 : i32
        %dma_start3A_94 = tpu.memref_slice %arg3[%add3A_92, %dma_start3A_93] : memref<1250x128xi32, #tpu.memory_space<hbm>> -> memref<1x128xi32, #tpu.memory_space<hbm>>
        %dma_start3A_95 = tpu.memref_squeeze %dma_start3A_94 : memref<1x128xi32, #tpu.memory_space<hbm>> -> memref<128xi32, #tpu.memory_space<hbm>>
        %dma_start3A_96 = arith.constant 0 : i32
        %dma_start3A_97 = tpu.memref_slice %arg3[%add3A_92, %dma_start3A_96] : memref<1250x128xi32, #tpu.memory_space<hbm>> -> memref<1x128xi32, #tpu.memory_space<hbm>>
        %dma_start3A_98 = tpu.memref_squeeze %dma_start3A_97 : memref<1x128xi32, #tpu.memory_space<hbm>> -> memref<128xi32, #tpu.memory_space<hbm>>
        tpu.enqueue_dma source(%dma_start3A_98 : memref<128xi32, #tpu.memory_space<hbm>>) target(%arg7 : memref<128xi32, #tpu.memory_space<vmem>>) target_semaphore(%arg12 : memref<!tpu.dma_semaphore, #tpu.memory_space<semaphore_mem>>)
        %mul3A_99 = arith.constant 128 : i32
        %mul3A_100 = arith.muli %add3A_92, %mul3A_99 : i32
        %dma_start3A_101 = arith.constant 0 : i32
        %dma_start3A_102 = tpu.memref_slice %arg2[%mul3A_100, %dma_start3A_101] : memref<160000x128xf32, #tpu.memory_space<hbm>> -> memref<128x128xf32, #tpu.memory_space<hbm>>
        %dma_start3A_103 = arith.constant 0 : i32
        %dma_start3A_104 = tpu.memref_slice %arg2[%mul3A_100, %dma_start3A_103] : memref<160000x128xf32, #tpu.memory_space<hbm>> -> memref<128x128xf32, #tpu.memory_space<hbm>>
        tpu.enqueue_dma source(%dma_start3A_104 : memref<128x128xf32, #tpu.memory_space<hbm>>) target(%arg9 : memref<128x128xf32, #tpu.memory_space<vmem>>) target_semaphore(%arg12 : memref<!tpu.dma_semaphore, #tpu.memory_space<semaphore_mem>>)
      } else {
      }
      %mul3A_49 = arith.constant 16 : i32
      %mul3A_50 = arith.muli %add3A_30, %mul3A_49 : i32
      %add3A_51 = arith.addi %mul3A_50, %arg1 : i32
      %lt3A_52 = arith.constant 625 : i32
      %lt3A_53 = arith.cmpi slt, %add3A_51, %lt3A_52 : i32
      %convert_element_type3A_54 = arith.extui %lt3A_53 : i1 to i32
      %cond3A_55 = arith.constant 0 : i32
      %cond3A_56 = arith.cmpi ne, %convert_element_type3A_54, %cond3A_55 : i32
      scf.if %cond3A_56 {
        "tpu.region"() ({
          %run_scoped3A = tpu.sem_alloc : memref<!tpu.dma_semaphore, #tpu.memory_space<semaphore_mem>>
          %dma_start3A_85 = arith.constant 0 : i32
          %dma_start3A_86 = arith.constant 0 : i32
          %dma_start3A_87 = tpu.memref_slice %arg10[%dma_start3A_85, %dma_start3A_86] : memref<10000x128xf32, #tpu.memory_space<vmem_shared>> -> memref<10000x128xf32, #tpu.memory_space<vmem_shared>>
          tpu.enqueue_indirect_dma source(%arg8 : memref<128x128xf32, #tpu.memory_space<vmem>>) target(%dma_start3A_87 : memref<10000x128xf32, #tpu.memory_space<vmem_shared>>) offsets(%arg6 : memref<128xi32, #tpu.memory_space<vmem>>) semaphore(%run_scoped3A : memref<!tpu.dma_semaphore, #tpu.memory_space<semaphore_mem>>) {add = true}
          %dma_wait3A = arith.constant 0 : i32
          %dma_wait3A_88 = arith.constant 0 : i32
          %dma_wait3A_89 = tpu.memref_slice %arg10[%dma_wait3A, %dma_wait3A_88] : memref<10000x128xf32, #tpu.memory_space<vmem_shared>> -> memref<10000x128xf32, #tpu.memory_space<vmem_shared>>
          tpu.wait_indirect_dma semaphore(%run_scoped3A : memref<!tpu.dma_semaphore, #tpu.memory_space<semaphore_mem>>) src(%arg8 : memref<128x128xf32, #tpu.memory_space<vmem>>) dst(%dma_wait3A_89 : memref<10000x128xf32, #tpu.memory_space<vmem_shared>>)
          tpu.yield
        }) : () -> ()
      } else {
      }
      %add3A_57 = arith.constant 1 : i32
      %add3A_58 = arith.addi %mul3A_28, %add3A_57 : i32
      %mul3A_59 = arith.constant 16 : i32
      %mul3A_60 = arith.muli %add3A_58, %mul3A_59 : i32
      %add3A_61 = arith.addi %mul3A_60, %arg1 : i32
      %lt3A_62 = arith.constant 625 : i32
      %lt3A_63 = arith.cmpi slt, %add3A_61, %lt3A_62 : i32
      %convert_element_type3A_64 = arith.extui %lt3A_63 : i1 to i32
      %cond3A_65 = arith.constant 0 : i32
      %cond3A_66 = arith.cmpi ne, %convert_element_type3A_64, %cond3A_65 : i32
      scf.if %cond3A_66 {
        %mul3A_85 = arith.constant 625 : i32
        %mul3A_86 = arith.muli %arg0, %mul3A_85 : i32
        %mul3A_87 = arith.constant 16 : i32
        %mul3A_88 = arith.muli %add3A_58, %mul3A_87 : i32
        %add3A_89 = arith.addi %mul3A_86, %mul3A_88 : i32
        %add3A_90 = arith.addi %add3A_89, %arg1 : i32
        %dma_wait3A = arith.constant 0 : i32
        %dma_wait3A_91 = tpu.memref_slice %arg3[%add3A_90, %dma_wait3A] : memref<1250x128xi32, #tpu.memory_space<hbm>> -> memref<1x128xi32, #tpu.memory_space<hbm>>
        %dma_wait3A_92 = tpu.memref_squeeze %dma_wait3A_91 : memref<1x128xi32, #tpu.memory_space<hbm>> -> memref<128xi32, #tpu.memory_space<hbm>>
        %dma_wait3A_93 = arith.constant 0 : i32
        %dma_wait3A_94 = tpu.memref_slice %arg3[%add3A_90, %dma_wait3A_93] : memref<1250x128xi32, #tpu.memory_space<hbm>> -> memref<1x128xi32, #tpu.memory_space<hbm>>
        %dma_wait3A_95 = tpu.memref_squeeze %dma_wait3A_94 : memref<1x128xi32, #tpu.memory_space<hbm>> -> memref<128xi32, #tpu.memory_space<hbm>>
        tpu.wait_dma2 semaphore(%arg12 : memref<!tpu.dma_semaphore, #tpu.memory_space<semaphore_mem>>) src(%dma_wait3A_95 : memref<128xi32, #tpu.memory_space<hbm>>) dst(%arg7 : memref<128xi32, #tpu.memory_space<vmem>>)
        %mul3A_96 = arith.constant 128 : i32
        %mul3A_97 = arith.muli %add3A_90, %mul3A_96 : i32
        %dma_wait3A_98 = arith.constant 0 : i32
        %dma_wait3A_99 = tpu.memref_slice %arg2[%mul3A_97, %dma_wait3A_98] : memref<160000x128xf32, #tpu.memory_space<hbm>> -> memref<128x128xf32, #tpu.memory_space<hbm>>
        %dma_wait3A_100 = arith.constant 0 : i32
        %dma_wait3A_101 = tpu.memref_slice %arg2[%mul3A_97, %dma_wait3A_100] : memref<160000x128xf32, #tpu.memory_space<hbm>> -> memref<128x128xf32, #tpu.memory_space<hbm>>
        tpu.wait_dma2 semaphore(%arg12 : memref<!tpu.dma_semaphore, #tpu.memory_space<semaphore_mem>>) src(%dma_wait3A_101 : memref<128x128xf32, #tpu.memory_space<hbm>>) dst(%arg9 : memref<128x128xf32, #tpu.memory_space<vmem>>)
      } else {
      }
      %add3A_67 = arith.constant 1 : i32
      %add3A_68 = arith.addi %add3A_58, %add3A_67 : i32
      %mul3A_69 = arith.constant 16 : i32
      %mul3A_70 = arith.muli %add3A_68, %mul3A_69 : i32
      %add3A_71 = arith.addi %mul3A_70, %arg1 : i32
      %lt3A_72 = arith.constant 625 : i32
      %lt3A_73 = arith.cmpi slt, %add3A_71, %lt3A_72 : i32
      %convert_element_type3A_74 = arith.extui %lt3A_73 : i1 to i32
      %cond3A_75 = arith.constant 0 : i32
      %cond3A_76 = arith.cmpi ne, %convert_element_type3A_74, %cond3A_75 : i32
      scf.if %cond3A_76 {
        %add3A_85 = arith.constant 1 : i32
        %add3A_86 = arith.addi %add3A_58, %add3A_85 : i32
        %mul3A_87 = arith.constant 625 : i32
        %mul3A_88 = arith.muli %arg0, %mul3A_87 : i32
        %mul3A_89 = arith.constant 16 : i32
        %mul3A_90 = arith.muli %add3A_86, %mul3A_89 : i32
        %add3A_91 = arith.addi %mul3A_88, %mul3A_90 : i32
        %add3A_92 = arith.addi %add3A_91, %arg1 : i32
        %dma_start3A_93 = arith.constant 0 : i32
        %dma_start3A_94 = tpu.memref_slice %arg3[%add3A_92, %dma_start3A_93] : memref<1250x128xi32, #tpu.memory_space<hbm>> -> memref<1x128xi32, #tpu.memory_space<hbm>>
        %dma_start3A_95 = tpu.memref_squeeze %dma_start3A_94 : memref<1x128xi32, #tpu.memory_space<hbm>> -> memref<128xi32, #tpu.memory_space<hbm>>
        %dma_start3A_96 = arith.constant 0 : i32
        %dma_start3A_97 = tpu.memref_slice %arg3[%add3A_92, %dma_start3A_96] : memref<1250x128xi32, #tpu.memory_space<hbm>> -> memref<1x128xi32, #tpu.memory_space<hbm>>
        %dma_start3A_98 = tpu.memref_squeeze %dma_start3A_97 : memref<1x128xi32, #tpu.memory_space<hbm>> -> memref<128xi32, #tpu.memory_space<hbm>>
        tpu.enqueue_dma source(%dma_start3A_98 : memref<128xi32, #tpu.memory_space<hbm>>) target(%arg6 : memref<128xi32, #tpu.memory_space<vmem>>) target_semaphore(%arg11 : memref<!tpu.dma_semaphore, #tpu.memory_space<semaphore_mem>>)
        %mul3A_99 = arith.constant 128 : i32
        %mul3A_100 = arith.muli %add3A_92, %mul3A_99 : i32
        %dma_start3A_101 = arith.constant 0 : i32
        %dma_start3A_102 = tpu.memref_slice %arg2[%mul3A_100, %dma_start3A_101] : memref<160000x128xf32, #tpu.memory_space<hbm>> -> memref<128x128xf32, #tpu.memory_space<hbm>>
        %dma_start3A_103 = arith.constant 0 : i32
        %dma_start3A_104 = tpu.memref_slice %arg2[%mul3A_100, %dma_start3A_103] : memref<160000x128xf32, #tpu.memory_space<hbm>> -> memref<128x128xf32, #tpu.memory_space<hbm>>
        tpu.enqueue_dma source(%dma_start3A_104 : memref<128x128xf32, #tpu.memory_space<hbm>>) target(%arg8 : memref<128x128xf32, #tpu.memory_space<vmem>>) target_semaphore(%arg11 : memref<!tpu.dma_semaphore, #tpu.memory_space<semaphore_mem>>)
      } else {
      }
      %mul3A_77 = arith.constant 16 : i32
      %mul3A_78 = arith.muli %add3A_58, %mul3A_77 : i32
      %add3A_79 = arith.addi %mul3A_78, %arg1 : i32
      %lt3A_80 = arith.constant 625 : i32
      %lt3A_81 = arith.cmpi slt, %add3A_79, %lt3A_80 : i32
      %convert_element_type3A_82 = arith.extui %lt3A_81 : i1 to i32
      %cond3A_83 = arith.constant 0 : i32
      %cond3A_84 = arith.cmpi ne, %convert_element_type3A_82, %cond3A_83 : i32
      scf.if %cond3A_84 {
        "tpu.region"() ({
          %run_scoped3A = tpu.sem_alloc : memref<!tpu.dma_semaphore, #tpu.memory_space<semaphore_mem>>
          %dma_start3A_85 = arith.constant 0 : i32
          %dma_start3A_86 = arith.constant 0 : i32
          %dma_start3A_87 = tpu.memref_slice %arg10[%dma_start3A_85, %dma_start3A_86] : memref<10000x128xf32, #tpu.memory_space<vmem_shared>> -> memref<10000x128xf32, #tpu.memory_space<vmem_shared>>
          tpu.enqueue_indirect_dma source(%arg9 : memref<128x128xf32, #tpu.memory_space<vmem>>) target(%dma_start3A_87 : memref<10000x128xf32, #tpu.memory_space<vmem_shared>>) offsets(%arg7 : memref<128xi32, #tpu.memory_space<vmem>>) semaphore(%run_scoped3A : memref<!tpu.dma_semaphore, #tpu.memory_space<semaphore_mem>>) {add = true}
          %dma_wait3A = arith.constant 0 : i32
          %dma_wait3A_88 = arith.constant 0 : i32
          %dma_wait3A_89 = tpu.memref_slice %arg10[%dma_wait3A, %dma_wait3A_88] : memref<10000x128xf32, #tpu.memory_space<vmem_shared>> -> memref<10000x128xf32, #tpu.memory_space<vmem_shared>>
          tpu.wait_indirect_dma semaphore(%run_scoped3A : memref<!tpu.dma_semaphore, #tpu.memory_space<semaphore_mem>>) src(%arg9 : memref<128x128xf32, #tpu.memory_space<vmem>>) dst(%dma_wait3A_89 : memref<10000x128xf32, #tpu.memory_space<vmem_shared>>)
          tpu.yield
        }) : () -> ()
      } else {
      }
    }
    %scan3A_20 = arith.constant 20 : i32
    %barrier3A_21 = arith.constant 0 : index
    tpu.barrier barrier_id(%barrier3A_21)
    %lt3A = arith.constant 10 : i32
    %lt3A_22 = arith.cmpi slt, %arg1, %lt3A : i32
    %convert_element_type3A_23 = arith.extui %lt3A_22 : i1 to i32
    %cond3A_24 = arith.constant 0 : i32
    %cond3A_25 = arith.cmpi ne, %convert_element_type3A_23, %cond3A_24 : i32
    scf.if %cond3A_25 {
      %mul3A_26 = arith.constant 1000 : i32
      %mul3A_27 = arith.muli %arg1, %mul3A_26 : i32
      %mul3A_28 = arith.constant 1000 : i32
      %mul3A_29 = arith.muli %arg1, %mul3A_28 : i32
      "tpu.region"() ({
        %run_scoped3A = tpu.sem_alloc : memref<!tpu.dma_semaphore, #tpu.memory_space<semaphore_mem>>
        %dma_start3A_30 = arith.constant 0 : i32
        %dma_start3A_31 = tpu.memref_slice %arg5[%arg0, %mul3A_29, %dma_start3A_30] : memref<2x10000x128xf32, #tpu.memory_space<hbm>> -> memref<1x1000x128xf32, #tpu.memory_space<hbm>>
        %dma_start3A_32 = tpu.memref_squeeze %dma_start3A_31 : memref<1x1000x128xf32, #tpu.memory_space<hbm>> -> memref<1000x128xf32, #tpu.memory_space<hbm>>
        %dma_start3A_33 = arith.constant 0 : i32
        %dma_start3A_34 = tpu.memref_slice %arg10[%mul3A_27, %dma_start3A_33] : memref<10000x128xf32, #tpu.memory_space<vmem_shared>> -> memref<1000x128xf32, #tpu.memory_space<vmem_shared>>
        tpu.enqueue_dma source(%dma_start3A_34 : memref<1000x128xf32, #tpu.memory_space<vmem_shared>>) target(%dma_start3A_32 : memref<1000x128xf32, #tpu.memory_space<hbm>>) target_semaphore(%run_scoped3A : memref<!tpu.dma_semaphore, #tpu.memory_space<semaphore_mem>>)
        %dma_wait3A = arith.constant 0 : i32
        %dma_wait3A_35 = tpu.memref_slice %arg5[%arg0, %mul3A_29, %dma_wait3A] : memref<2x10000x128xf32, #tpu.memory_space<hbm>> -> memref<1x1000x128xf32, #tpu.memory_space<hbm>>
        %dma_wait3A_36 = tpu.memref_squeeze %dma_wait3A_35 : memref<1x1000x128xf32, #tpu.memory_space<hbm>> -> memref<1000x128xf32, #tpu.memory_space<hbm>>
        %dma_wait3A_37 = arith.constant 0 : i32
        %dma_wait3A_38 = tpu.memref_slice %arg10[%mul3A_27, %dma_wait3A_37] : memref<10000x128xf32, #tpu.memory_space<vmem_shared>> -> memref<1000x128xf32, #tpu.memory_space<vmem_shared>>
        tpu.wait_dma2 semaphore(%run_scoped3A : memref<!tpu.dma_semaphore, #tpu.memory_space<semaphore_mem>>) src(%dma_wait3A_38 : memref<1000x128xf32, #tpu.memory_space<vmem_shared>>) dst(%dma_wait3A_36 : memref<1000x128xf32, #tpu.memory_space<hbm>>)
        tpu.yield
      }) : () -> ()
    } else {
    }
    return
  }
}

module attributes {stable_mosaic.version = 14 : i64} {
  func.func @_mlp_body(%arg0: i32, %arg1: memref<3200x128xf32, #tpu.memory_space<vmem>>, %arg2: memref<3200x128xf32, #tpu.memory_space<vmem>>, %arg3: memref<3200x128xf32, #tpu.memory_space<vmem>>, %arg4: memref<3200x16xf32, #tpu.memory_space<vmem>>, %arg5: memref<3200x1xf32, #tpu.memory_space<vmem>>, %arg6: memref<128x256xbf16, #tpu.memory_space<vmem>>, %arg7: memref<128x256xbf16, #tpu.memory_space<vmem>>, %arg8: memref<128x256xbf16, #tpu.memory_space<vmem>>, %arg9: memref<16x256xbf16, #tpu.memory_space<vmem>>, %arg10: memref<256xf32, #tpu.memory_space<vmem>>, %arg11: memref<3x256x256xbf16, #tpu.memory_space<vmem>>, %arg12: memref<3x256xf32, #tpu.memory_space<vmem>>, %arg13: memref<3200x128xf32, #tpu.memory_space<vmem>>) attributes {dimension_semantics = [#tpu.dimension_semantics<arbitrary>], iteration_bounds = array<i64: 50>, scalar_prefetch = 0 : i64, scratch_operands = 0 : i64, tpu.core_type = #tpu.core_type<tc>, window_params = [{transform_indices = @transform_0, window_bounds = array<i64: 3200, 128>}, {transform_indices = @transform_1, window_bounds = array<i64: 3200, 128>}, {transform_indices = @transform_2, window_bounds = array<i64: 3200, 128>}, {transform_indices = @transform_3, window_bounds = array<i64: 3200, 16>}, {transform_indices = @transform_4, window_bounds = array<i64: 3200, 1>}, {pipeline_mode = #tpu.pipeline_mode<synchronous>, transform_indices = @transform_5, window_bounds = array<i64: 128, 256>}, {pipeline_mode = #tpu.pipeline_mode<synchronous>, transform_indices = @transform_6, window_bounds = array<i64: 128, 256>}, {pipeline_mode = #tpu.pipeline_mode<synchronous>, transform_indices = @transform_7, window_bounds = array<i64: 128, 256>}, {pipeline_mode = #tpu.pipeline_mode<synchronous>, transform_indices = @transform_8, window_bounds = array<i64: 16, 256>}, {pipeline_mode = #tpu.pipeline_mode<synchronous>, transform_indices = @transform_9, window_bounds = array<i64: 256>}, {pipeline_mode = #tpu.pipeline_mode<synchronous>, transform_indices = @transform_10, window_bounds = array<i64: 3, 256, 256>}, {pipeline_mode = #tpu.pipeline_mode<synchronous>, transform_indices = @transform_11, window_bounds = array<i64: 3, 256>}, {transform_indices = @transform_12, window_bounds = array<i64: 3200, 128>}]} {
    %get3A = arith.constant 0 : index
    %get3A_0 = arith.constant 0 : index
    %get3A_1 = vector.load %arg1[%get3A, %get3A_0] : memref<3200x128xf32, #tpu.memory_space<vmem>>, vector<3200x128xf32>
    %convert_element_type3A = arith.truncf %get3A_1 : vector<3200x128xf32> to vector<3200x128xbf16>
    %get3A_2 = arith.constant 0 : index
    %get3A_3 = arith.constant 0 : index
    %get3A_4 = vector.load %arg6[%get3A_2, %get3A_3] : memref<128x256xbf16, #tpu.memory_space<vmem>>, vector<128x256xbf16>
    %dot_general3A = arith.constant dense<0.000000e+00> : vector<3200x256xf32>
    %dot_general3A_5 = tpu.matmul %convert_element_type3A, %get3A_4, %dot_general3A {dimension_numbers = #tpu.dot_dimension_numbers<[1], [0], [0], [1], [0, 0, 1, 1], [], []>, transpose_lhs_hint = false} : vector<3200x128xbf16>, vector<128x256xbf16>, vector<3200x256xf32> -> vector<3200x256xf32>
    %get3A_6 = arith.constant 0 : index
    %get3A_7 = arith.constant 0 : index
    %get3A_8 = vector.load %arg2[%get3A_6, %get3A_7] : memref<3200x128xf32, #tpu.memory_space<vmem>>, vector<3200x128xf32>
    %convert_element_type3A_9 = arith.truncf %get3A_8 : vector<3200x128xf32> to vector<3200x128xbf16>
    %get3A_10 = arith.constant 0 : index
    %get3A_11 = arith.constant 0 : index
    %get3A_12 = vector.load %arg7[%get3A_10, %get3A_11] : memref<128x256xbf16, #tpu.memory_space<vmem>>, vector<128x256xbf16>
    %dot_general3A_13 = arith.constant dense<0.000000e+00> : vector<3200x256xf32>
    %dot_general3A_14 = tpu.matmul %convert_element_type3A_9, %get3A_12, %dot_general3A_13 {dimension_numbers = #tpu.dot_dimension_numbers<[1], [0], [0], [1], [0, 0, 1, 1], [], []>, transpose_lhs_hint = false} : vector<3200x128xbf16>, vector<128x256xbf16>, vector<3200x256xf32> -> vector<3200x256xf32>
    %add3A = arith.addf %dot_general3A_5, %dot_general3A_14 : vector<3200x256xf32>
    %get3A_15 = arith.constant 0 : index
    %get3A_16 = arith.constant 0 : index
    %get3A_17 = vector.load %arg3[%get3A_15, %get3A_16] : memref<3200x128xf32, #tpu.memory_space<vmem>>, vector<3200x128xf32>
    %convert_element_type3A_18 = arith.truncf %get3A_17 : vector<3200x128xf32> to vector<3200x128xbf16>
    %get3A_19 = arith.constant 0 : index
    %get3A_20 = arith.constant 0 : index
    %get3A_21 = vector.load %arg8[%get3A_19, %get3A_20] : memref<128x256xbf16, #tpu.memory_space<vmem>>, vector<128x256xbf16>
    %dot_general3A_22 = arith.constant dense<0.000000e+00> : vector<3200x256xf32>
    %dot_general3A_23 = tpu.matmul %convert_element_type3A_18, %get3A_21, %dot_general3A_22 {dimension_numbers = #tpu.dot_dimension_numbers<[1], [0], [0], [1], [0, 0, 1, 1], [], []>, transpose_lhs_hint = false} : vector<3200x128xbf16>, vector<128x256xbf16>, vector<3200x256xf32> -> vector<3200x256xf32>
    %add3A_24 = arith.addf %add3A, %dot_general3A_23 : vector<3200x256xf32>
    %get3A_25 = arith.constant 0 : index
    %get3A_26 = arith.constant 0 : index
    %get3A_27 = vector.load %arg4[%get3A_25, %get3A_26] : memref<3200x16xf32, #tpu.memory_space<vmem>>, vector<3200x16xf32>
    %convert_element_type3A_28 = arith.truncf %get3A_27 : vector<3200x16xf32> to vector<3200x16xbf16>
    %get3A_29 = arith.constant 0 : index
    %get3A_30 = arith.constant 0 : index
    %get3A_31 = vector.load %arg9[%get3A_29, %get3A_30] : memref<16x256xbf16, #tpu.memory_space<vmem>>, vector<16x256xbf16>
    %dot_general3A_32 = arith.constant dense<0.000000e+00> : vector<3200x256xf32>
    %dot_general3A_33 = tpu.matmul %convert_element_type3A_28, %get3A_31, %dot_general3A_32 {dimension_numbers = #tpu.dot_dimension_numbers<[1], [0], [0], [1], [0, 0, 1, 1], [], []>, transpose_lhs_hint = false} : vector<3200x16xbf16>, vector<16x256xbf16>, vector<3200x256xf32> -> vector<3200x256xf32>
    %add3A_34 = arith.addf %add3A_24, %dot_general3A_33 : vector<3200x256xf32>
    %get3A_35 = arith.constant 0 : index
    %get3A_36 = vector.load %arg10[%get3A_35] : memref<256xf32, #tpu.memory_space<vmem>>, vector<256xf32>
    %broadcast_in_dim3A = vector.shape_cast %get3A_36 : vector<256xf32> to vector<1x256xf32>
    %add3A_37 = vector.broadcast %broadcast_in_dim3A : vector<1x256xf32> to vector<3200x256xf32>
    %add3A_38 = arith.addf %add3A_34, %add3A_37 : vector<3200x256xf32>
    %max3A = arith.constant 0.000000e+00 : f32
    %max3A_39 = vector.broadcast %max3A : f32 to vector<3200x256xf32>
    %max3A_40 = arith.maximumf %add3A_38, %max3A_39 : vector<3200x256xf32>
    %convert_element_type3A_41 = arith.truncf %max3A_40 : vector<3200x256xf32> to vector<3200x256xbf16>
    %get3A_42 = arith.constant 0 : index
    %get3A_43 = arith.constant 0 : index
    %get3A_44 = arith.constant 0 : index
    %get3A_45 = vector.load %arg11[%get3A_42, %get3A_43, %get3A_44] : memref<3x256x256xbf16, #tpu.memory_space<vmem>>, vector<1x256x256xbf16>
    %get3A_46 = vector.shape_cast %get3A_45 : vector<1x256x256xbf16> to vector<256x256xbf16>
    %dot_general3A_47 = arith.constant dense<0.000000e+00> : vector<3200x256xf32>
    %dot_general3A_48 = tpu.matmul %convert_element_type3A_41, %get3A_46, %dot_general3A_47 {dimension_numbers = #tpu.dot_dimension_numbers<[1], [0], [0], [1], [0, 0, 1, 1], [], []>, transpose_lhs_hint = false} : vector<3200x256xbf16>, vector<256x256xbf16>, vector<3200x256xf32> -> vector<3200x256xf32>
    %get3A_49 = arith.constant 0 : index
    %get3A_50 = arith.constant 0 : index
    %get3A_51 = vector.load %arg12[%get3A_49, %get3A_50] : memref<3x256xf32, #tpu.memory_space<vmem>>, vector<1x256xf32>
    %get3A_52 = vector.shape_cast %get3A_51 : vector<1x256xf32> to vector<256xf32>
    %broadcast_in_dim3A_53 = vector.shape_cast %get3A_52 : vector<256xf32> to vector<1x256xf32>
    %add3A_54 = vector.broadcast %broadcast_in_dim3A_53 : vector<1x256xf32> to vector<3200x256xf32>
    %add3A_55 = arith.addf %dot_general3A_48, %add3A_54 : vector<3200x256xf32>
    %max3A_56 = arith.constant 0.000000e+00 : f32
    %max3A_57 = vector.broadcast %max3A_56 : f32 to vector<3200x256xf32>
    %max3A_58 = arith.maximumf %add3A_55, %max3A_57 : vector<3200x256xf32>
    %convert_element_type3A_59 = arith.truncf %max3A_58 : vector<3200x256xf32> to vector<3200x256xbf16>
    %get3A_60 = arith.constant 1 : index
    %get3A_61 = arith.constant 0 : index
    %get3A_62 = arith.constant 0 : index
    %get3A_63 = vector.load %arg11[%get3A_60, %get3A_61, %get3A_62] : memref<3x256x256xbf16, #tpu.memory_space<vmem>>, vector<1x256x256xbf16>
    %get3A_64 = vector.shape_cast %get3A_63 : vector<1x256x256xbf16> to vector<256x256xbf16>
    %dot_general3A_65 = arith.constant dense<0.000000e+00> : vector<3200x256xf32>
    %dot_general3A_66 = tpu.matmul %convert_element_type3A_59, %get3A_64, %dot_general3A_65 {dimension_numbers = #tpu.dot_dimension_numbers<[1], [0], [0], [1], [0, 0, 1, 1], [], []>, transpose_lhs_hint = false} : vector<3200x256xbf16>, vector<256x256xbf16>, vector<3200x256xf32> -> vector<3200x256xf32>
    %get3A_67 = arith.constant 1 : index
    %get3A_68 = arith.constant 0 : index
    %get3A_69 = vector.load %arg12[%get3A_67, %get3A_68] : memref<3x256xf32, #tpu.memory_space<vmem>>, vector<1x256xf32>
    %get3A_70 = vector.shape_cast %get3A_69 : vector<1x256xf32> to vector<256xf32>
    %broadcast_in_dim3A_71 = vector.shape_cast %get3A_70 : vector<256xf32> to vector<1x256xf32>
    %add3A_72 = vector.broadcast %broadcast_in_dim3A_71 : vector<1x256xf32> to vector<3200x256xf32>
    %add3A_73 = arith.addf %dot_general3A_66, %add3A_72 : vector<3200x256xf32>
    %max3A_74 = arith.constant 0.000000e+00 : f32
    %max3A_75 = vector.broadcast %max3A_74 : f32 to vector<3200x256xf32>
    %max3A_76 = arith.maximumf %add3A_73, %max3A_75 : vector<3200x256xf32>
    %convert_element_type3A_77 = arith.truncf %max3A_76 : vector<3200x256xf32> to vector<3200x256xbf16>
    %get3A_78 = arith.constant 2 : index
    %get3A_79 = arith.constant 0 : index
    %get3A_80 = arith.constant 0 : index
    %get3A_81 = vector.load %arg11[%get3A_78, %get3A_79, %get3A_80] : memref<3x256x256xbf16, #tpu.memory_space<vmem>>, vector<1x256x256xbf16>
    %get3A_82 = vector.shape_cast %get3A_81 : vector<1x256x256xbf16> to vector<256x256xbf16>
    %dot_general3A_83 = arith.constant dense<0.000000e+00> : vector<3200x256xf32>
    %dot_general3A_84 = tpu.matmul %convert_element_type3A_77, %get3A_82, %dot_general3A_83 {dimension_numbers = #tpu.dot_dimension_numbers<[1], [0], [0], [1], [0, 0, 1, 1], [], []>, transpose_lhs_hint = false} : vector<3200x256xbf16>, vector<256x256xbf16>, vector<3200x256xf32> -> vector<3200x256xf32>
    %get3A_85 = arith.constant 2 : index
    %get3A_86 = arith.constant 0 : index
    %get3A_87 = vector.load %arg12[%get3A_85, %get3A_86] : memref<3x256xf32, #tpu.memory_space<vmem>>, vector<1x256xf32>
    %get3A_88 = vector.shape_cast %get3A_87 : vector<1x256xf32> to vector<256xf32>
    %broadcast_in_dim3A_89 = vector.shape_cast %get3A_88 : vector<256xf32> to vector<1x256xf32>
    %add3A_90 = vector.broadcast %broadcast_in_dim3A_89 : vector<1x256xf32> to vector<3200x256xf32>
    %add3A_91 = arith.addf %dot_general3A_84, %add3A_90 : vector<3200x256xf32>
    %max3A_92 = arith.constant 0.000000e+00 : f32
    %max3A_93 = vector.broadcast %max3A_92 : f32 to vector<3200x256xf32>
    %max3A_94 = arith.maximumf %add3A_91, %max3A_93 : vector<3200x256xf32>
    %get3A_95 = arith.constant 0 : index
    %get3A_96 = arith.constant 0 : index
    %get3A_97 = vector.load %arg5[%get3A_95, %get3A_96] : memref<3200x1xf32, #tpu.memory_space<vmem>>, vector<3200x1xf32>
    %gt3A = arith.constant 0.000000e+00 : f32
    %gt3A_98 = vector.broadcast %gt3A : f32 to vector<3200x1xf32>
    %gt3A_99 = arith.cmpf ogt, %get3A_97, %gt3A_98 : vector<3200x1xf32>
    %slice3A = vector.extract_strided_slice %max3A_94 {offsets = [0, 0], sizes = [3200, 128], strides = [1, 1]} : vector<3200x256xf32> to vector<3200x128xf32>
    %slice3A_100 = vector.extract_strided_slice %max3A_94 {offsets = [0, 128], sizes = [3200, 128], strides = [1, 1]} : vector<3200x256xf32> to vector<3200x128xf32>
    %broadcast_in_dim3A_101 = vector.shape_cast %gt3A_99 : vector<3200x1xi1> to vector<3200x1xi1>
    %broadcast_in_dim3A_102 = vector.broadcast %broadcast_in_dim3A_101 : vector<3200x1xi1> to vector<3200x128xi1>
    %select_n3A = arith.select %broadcast_in_dim3A_102, %slice3A, %slice3A_100 : vector<3200x128xi1>, vector<3200x128xf32>
    %swap3A = arith.constant 0 : index
    %swap3A_103 = arith.constant 0 : index
    %swap3A_104 = vector.load %arg13[%swap3A, %swap3A_103] : memref<3200x128xf32, #tpu.memory_space<vmem>>, vector<3200x128xf32>
    tpu.vector_store %arg13[%swap3A, %swap3A_103], %select_n3A {strides = array<i32>} : memref<3200x128xf32, #tpu.memory_space<vmem>>, vector<3200x128xf32>,
    return
  }
  func.func @transform_0(%arg0: i32) -> (i32, i32) {
    %c0_i32 = arith.constant 0 : i32
    %c0_i32_0 = arith.constant 0 : i32
    return %arg0, %c0_i32 : i32, i32
  }
  func.func @transform_1(%arg0: i32) -> (i32, i32) {
    %add3A = arith.constant 50 : i32
    %add3A_0 = arith.addi %arg0, %add3A : i32
    %c0_i32 = arith.constant 0 : i32
    %c0_i32_1 = arith.constant 0 : i32
    return %add3A_0, %c0_i32 : i32, i32
  }
  func.func @transform_2(%arg0: i32) -> (i32, i32) {
    %add3A = arith.constant 100 : i32
    %add3A_0 = arith.addi %arg0, %add3A : i32
    %c0_i32 = arith.constant 0 : i32
    %c0_i32_1 = arith.constant 0 : i32
    return %add3A_0, %c0_i32 : i32, i32
  }
  func.func @transform_3(%arg0: i32) -> (i32, i32) {
    %c0_i32 = arith.constant 0 : i32
    %c0_i32_0 = arith.constant 0 : i32
    return %arg0, %c0_i32 : i32, i32
  }
  func.func @transform_4(%arg0: i32) -> (i32, i32) {
    %c0_i32 = arith.constant 0 : i32
    %c0_i32_0 = arith.constant 0 : i32
    return %arg0, %c0_i32 : i32, i32
  }
  func.func @transform_5(%arg0: i32) -> (i32, i32) {
    %c0_i32 = arith.constant 0 : i32
    %c0_i32_0 = arith.constant 0 : i32
    %c0_i32_1 = arith.constant 0 : i32
    return %c0_i32, %c0_i32_0 : i32, i32
  }
  func.func @transform_6(%arg0: i32) -> (i32, i32) {
    %c0_i32 = arith.constant 0 : i32
    %c0_i32_0 = arith.constant 0 : i32
    %c0_i32_1 = arith.constant 0 : i32
    return %c0_i32, %c0_i32_0 : i32, i32
  }
  func.func @transform_7(%arg0: i32) -> (i32, i32) {
    %c0_i32 = arith.constant 0 : i32
    %c0_i32_0 = arith.constant 0 : i32
    %c0_i32_1 = arith.constant 0 : i32
    return %c0_i32, %c0_i32_0 : i32, i32
  }
  func.func @transform_8(%arg0: i32) -> (i32, i32) {
    %c0_i32 = arith.constant 0 : i32
    %c0_i32_0 = arith.constant 0 : i32
    %c0_i32_1 = arith.constant 0 : i32
    return %c0_i32, %c0_i32_0 : i32, i32
  }
  func.func @transform_9(%arg0: i32) -> i32 {
    %c0_i32 = arith.constant 0 : i32
    %c0_i32_0 = arith.constant 0 : i32
    return %c0_i32 : i32
  }
  func.func @transform_10(%arg0: i32) -> (i32, i32, i32) {
    %c0_i32 = arith.constant 0 : i32
    %c0_i32_0 = arith.constant 0 : i32
    %c0_i32_1 = arith.constant 0 : i32
    %c0_i32_2 = arith.constant 0 : i32
    return %c0_i32, %c0_i32_0, %c0_i32_1 : i32, i32, i32
  }
  func.func @transform_11(%arg0: i32) -> (i32, i32) {
    %c0_i32 = arith.constant 0 : i32
    %c0_i32_0 = arith.constant 0 : i32
    %c0_i32_1 = arith.constant 0 : i32
    return %c0_i32, %c0_i32_0 : i32, i32
  }
  func.func @transform_12(%arg0: i32) -> (i32, i32) {
    %c0_i32 = arith.constant 0 : i32
    %c0_i32_0 = arith.constant 0 : i32
    return %arg0, %c0_i32 : i32, i32
  }
}

module attributes {stable_mosaic.version = 14 : i64} {
  func.func @_add_body(%arg0: i32, %arg1: memref<2x2x1000x128xf32, #tpu.memory_space<vmem>>, %arg2: memref<1000x128xf32, #tpu.memory_space<vmem>>) attributes {dimension_semantics = [#tpu.dimension_semantics<arbitrary>], iteration_bounds = array<i64: 10>, scalar_prefetch = 0 : i64, scratch_operands = 0 : i64, tpu.core_type = #tpu.core_type<tc>, window_params = [{transform_indices = @transform_0, window_bounds = array<i64: 2, 2, 1000, 128>}, {transform_indices = @transform_1, window_bounds = array<i64: 1000, 128>}]} {
    %get3A = arith.constant 0 : index
    %get3A_0 = arith.constant 0 : index
    %get3A_1 = arith.constant 0 : index
    %get3A_2 = arith.constant 0 : index
    %get3A_3 = vector.load %arg1[%get3A, %get3A_0, %get3A_1, %get3A_2] : memref<2x2x1000x128xf32, #tpu.memory_space<vmem>>, vector<2x2x1000x128xf32>
    %reduce_sum3A = arith.constant dense<0.000000e+00> : vector<1000x128xf32>
    %reduce_sum3A_4 = vector.multi_reduction <add>, %get3A_3, %reduce_sum3A [0, 1] : vector<2x2x1000x128xf32> to vector<1000x128xf32>
    %swap3A = arith.constant 0 : index
    %swap3A_5 = arith.constant 0 : index
    %swap3A_6 = vector.load %arg2[%swap3A, %swap3A_5] : memref<1000x128xf32, #tpu.memory_space<vmem>>, vector<1000x128xf32>
    tpu.vector_store %arg2[%swap3A, %swap3A_5], %reduce_sum3A_4 {strides = array<i32>} : memref<1000x128xf32, #tpu.memory_space<vmem>>, vector<1000x128xf32>,
    return
  }
  func.func @transform_0(%arg0: i32) -> (i32, i32, i32, i32) {
    %c0_i32 = arith.constant 0 : i32
    %c0_i32_0 = arith.constant 0 : i32
    %c0_i32_1 = arith.constant 0 : i32
    %c0_i32_2 = arith.constant 0 : i32
    return %c0_i32, %c0_i32_0, %arg0, %c0_i32_1 : i32, i32, i32, i32
  }
  func.func @transform_1(%arg0: i32) -> (i32, i32) {
    %c0_i32 = arith.constant 0 : i32
    %c0_i32_0 = arith.constant 0 : i32
    return %arg0, %c0_i32 : i32, i32
  }
}

</mosaic_0001>

<sc_bundles>
// kernel: kernel.12.cloned.1.call-start
scs
__scs_entry_jumppad:
0x0: {  	(pc) =	sbr.rel $0x88, $3  }
0x1: {  	(tag) =	ssettag $0x0;
	lr =	simm.s32 $0x1  }
0x2: {  	[smem:$0x3F98] =	sst lr;
	_ =	strace $0xD0000000  }
0x3: {  	_ = 	snop  }
0x4: {  	_ = 	snop  }
0x5: {  	_ = 	snop  }
0x6: {  	_ = 	snop  }
0x7: {  	_ = 	snop  }
__scs_overlays_trampoline_lowered:
0x8: {  	[smem:$0x3FA7] =	sst s0  }
0x9: {  	[smem:$0x3FA8] =	sst s1  }
0xa: {  	[smem:$0x3FA9] =	sst s2  }
0xb: {  	[smem:$0x3FAA] =	sst s3  }
0xc: {  	[smem:$0x3FAB] =	sst s4  }
0xd: {  	[smem:$0x3FAC] =	sst s5  }
0xe: {  	[smem:$0x3FAD] =	sst s6  }
0xf: {  	[smem:$0x3FAE] =	sst s7  }
0x10: {  	[smem:$0x3FAF] =	sst s8  }
0x11: {  	[smem:$0x3FB0] =	sst s9;
	s0 =	simm.s32 @!p0 $0x0  }
0x12: {  	s1 =	sld [smem:$0x3F96];
	s0 =	simm.s32 @p0 $0x1  }
0x13: {  	[smem:$0x3FB1] =	sst s0;
	s0 =	simm.s32 @!p1 $0x0  }
0x14: {  	s2 =	sld [smem:$0x3F95];
	s0 =	simm.s32 @p1 $0x1  }
0x15: {  	[smem:$0x3FB2] =	sst s0;
	s0 =	simm.s32 @!p2 $0x0  }
0x16: {  	s3 =	sld [smem:$0x3FDB];
	s0 =	simm.s32 @p2 $0x1  }
0x17: {  	s4 =	simm.s32 $0x1BF5;
	[smem:$0x3FB4] =	sst s0  }
0x18: {  	s0 =	sld [smem:$0x3F97];
	_ =	swait.ge [sflag:s4], $0x0  }
0x19: {  	s7 =	sld [smem:$0x3F98]  }
0x1a: {  	s8 =	sadd.s32 $0xFFFFE003, lr  }
0x1b: {  	s9 =	sadd.s32 $0xFFFFFEF7, lr;
	s5 =	simm.s32 $0xFFFFFFFF;
	p2 =	slt.u32 s8, $0xFFFFF086  }
0x1c: {  	p1 =	slt.u32 s9, $0xF7A;
	s5 =	simm.s32 @!p2 $0x0  }
0x1d: {  	s5 =	simm.s32 @p1 $0x1;
	p0 =	seq.s32 s7, s2  }
0x1e: {  	s7 =	smul.u32 @!p0 $0xF7A, s2;
	p2 =	seq.s32 @!p0 s5, $0x0  }
0x1f: {  	s9 =	smul.u32 $0xF7A, s1;
	s8 =	simm.s32 @!p0 $0x1BF5;
	p2 =	por !p2, p0  }
0x20: {  	[sflag:s8] =	ssyncset.s32 @!p0 $0xFFFFF086;
	s6 =	sadd.s32 @!p0 s3, s7;
	s7 =	simm.s32 @!p0 $0x108  }
0x21: {  	s3 =	sadd.s32 s3, s9;
	s6 =	sadd.s32 @!p0 $0x88, s6;
	s7 =	simm.s32 @p2 $0x1082  }
0x22: {  	[simem:s7], [sflag:s8] =	dma.local @!p0 [hbm:s6], $0xF7A  }
0x23: {  	s9 =	sor.u32 $0xD0000000, s2;
	s6 =	simm.s32 $0x108;
	_ =	swait.ge @!p0 [sflag:s8], $0x0  }
0x24: {  	s3 =	sadd.s32 $0x88, s3;
	s6 =	simm.s32 @!p1 $0x1082;
	[sflag:s4] =	ssyncset.s32 $0xFFFFF086  }
0x25: {  	[simem:s6], [sflag:s4] =	dma.local [hbm:s3], $0xF7A  }
0x26: {  	[smem:$0x3F98] =	sst s1;
	(tag) =	ssettag s2;
	_ =	strace s9  }
0x27: {  	s1 =	sld [smem:$0x3FA8]  }
0x28: {  	s2 =	sld [smem:$0x3FA9]  }
0x29: {  	s4 =	sld [smem:$0x3FAB]  }
0x2a: {  	p0 =	seq.s32 s5, $0x0;
	s5 =	sld [smem:$0x3FAC]  }
0x2b: {  	s6 =	sld [smem:$0x3FAD]  }
0x2c: {  	s7 =	sld [smem:$0x3FAE]  }
0x2d: {  	s3 =	simm.s32 $0x108;
	s8 =	sld [smem:$0x3FAF]  }
0x2e: {  	s3 =	simm.s32 @!p0 $0x1082;
	s9 =	sld [smem:$0x3FB0]  }
0x2f: {  	lr =	sadd.s32 s0, s3;
	s0 =	sld [smem:$0x3FA7]  }
0x30: {  	s3 =	sld [smem:$0x3FAA]  }
0x31: {  	[smem:$0x3FB3] =	sst s10  }
0x32: {  	s10 =	sld [smem:$0x3FB1];
	_ =	sdelay $0x3  }
0x33: {  	p0 =	seq.s32 s10, $0x1;
	s10 =	sld [smem:$0x3FB3];
	_ =	sdelay $0x3  }
0x34: {  	[smem:$0x3FB3] =	sst s10  }
0x35: {  	s10 =	sld [smem:$0x3FB2];
	_ =	sdelay $0x3  }
0x36: {  	p1 =	seq.s32 s10, $0x1;
	s10 =	sld [smem:$0x3FB3];
	_ =	sdelay $0x3  }
0x37: {  	[smem:$0x3FB3] =	sst s10  }
0x38: {  	s10 =	sld [smem:$0x3FB4]  }
0x39: {  	_ = 	snop;
	(pc) =	sbr.ind lr, $3  }
0x3a: {  	_ = 	snop  }
0x3b: {  	_ = 	snop  }
0x3c: {  	p2 =	seq.s32 s10, $0x1;
	s10 =	sld [smem:$0x3FB3]  }
0x3d: {  	_ =	shalt  }
0x3e: {  	_ =	shalt  }
0x3f: {  	_ =	shalt  }
0x40: {  	_ =	shalt  }
0x41: {  	_ =	shalt  }
0x42: {  	_ =	shalt  }
0x43: {  	_ =	shalt  }
0x44: {  	_ =	shalt  }
0x45: {  	_ =	shalt  }
0x46: {  	_ =	shalt  }
0x47: {  	_ =	shalt  }
0x48: {  	_ =	shalt  }
0x49: {  	_ =	shalt  }
0x4a: {  	_ =	shalt  }
0x4b: {  	_ =	shalt  }
0x4c: {  	_ =	shalt  }
0x4d: {  	_ =	shalt  }
0x4e: {  	_ =	shalt  }
0x4f: {  	_ =	shalt  }
0x50: {  	_ =	shalt  }
0x51: {  	_ =	shalt  }
0x52: {  	_ =	shalt  }
0x53: {  	_ =	shalt  }
0x54: {  	_ =	shalt  }
0x55: {  	_ =	shalt  }
0x56: {  	_ =	shalt  }
0x57: {  	_ =	shalt  }
0x58: {  	_ =	shalt  }
0x59: {  	_ =	shalt  }
0x5a: {  	_ =	shalt  }
0x5b: {  	_ =	shalt  }
0x5c: {  	_ =	shalt  }
0x5d: {  	_ =	shalt  }
0x5e: {  	_ =	shalt  }
0x5f: {  	_ =	shalt  }
0x60: {  	_ =	shalt  }
0x61: {  	_ =	shalt  }
0x62: {  	_ =	shalt  }
0x63: {  	_ =	shalt  }
0x64: {  	_ =	shalt  }
0x65: {  	_ =	shalt  }
0x66: {  	_ =	shalt  }
0x67: {  	_ =	shalt  }
0x68: {  	_ =	shalt  }
0x69: {  	_ =	shalt  }
0x6a: {  	_ =	shalt  }
0x6b: {  	_ =	shalt  }
0x6c: {  	_ =	shalt  }
0x6d: {  	_ =	shalt  }
0x6e: {  	_ =	shalt  }
0x6f: {  	_ =	shalt  }
0x70: {  	_ =	shalt  }
0x71: {  	_ =	shalt  }
0x72: {  	_ =	shalt  }
0x73: {  	_ =	shalt  }
0x74: {  	_ =	shalt  }
0x75: {  	_ =	shalt  }
0x76: {  	_ =	shalt  }
0x77: {  	_ =	shalt  }
0x78: {  	_ =	shalt  }
0x79: {  	_ =	shalt  }
0x7a: {  	_ =	shalt  }
0x7b: {  	_ =	shalt  }
0x7c: {  	_ =	shalt  }
0x7d: {  	_ =	shalt  }
0x7e: {  	_ =	shalt  }
0x7f: {  	_ =	shalt  }
0x80: {  	_ =	shalt  }
0x81: {  	_ =	shalt  }
0x82: {  	_ =	shalt  }
0x83: {  	_ =	shalt  }
0x84: {  	_ =	shalt  }
0x85: {  	_ =	shalt  }
0x86: {  	_ =	shalt  }
0x87: {  	_ =	shalt  }
.Lfunc_end0:
.L_simem_size_0:
called_computation.1_lowered:
.L_overlay_start_0:
0x88: {  	s2 =	sld [smem:$0x3FD9]  }
0x89: {  	s3 =	sld [smem:$0x3FFE];
	_ =	sdelay $0x1  }
0x8a: {  	s1 =	srdreg.scid  }
0x8b: {  	s0 =	sand.u32 $0x1, s1  }
0x8c: {  	s17 =	sshll.u32 s0, $0xA;
	s2 =	sadd.s32 s3, s2  }
0x8d: {  	s2 =	sadd.s32 s2, s17  }
0x8e: {  	[smem:$0x3FBF] =	sst s2  }
0x8f: {  	_ = 	snop  }
0x90: {  	s2 =	sld [smem:$0x3FC9];
	(tm) =	ssettm $0x1  }
0x91: {  	s18 =	sld [smem:$0x3FFB];
	_ =	sdelay $0x3  }
0x92: {  	_ =	strace s18  }
0x93: {  	s3 =	sld [smem:$0x3FFC];
	_ =	sdelay $0x3  }
0x94: {  	_ =	strace s3  }
0x95: {  	s3 =	sld [smem:$0x3FFD];
	_ =	sdelay $0x3  }
0x96: {  	_ =	strace s3  }
0x97: {  	_ =	strace $0x8FFFFFFF  }
0x98: {  	s19 =	sld [smem:$0x3FDB];
	_ =	sdelay $0x1  }
0x99: {  	s4 =	simm.s32 $_scs_section_size  }
0x9a: {  	s5 =	simm.s32 $_size__tile_overlayer_lowered;
	s6 =	simm.s32 $_tile_overlayer_lowered  }
0x9b: {  	s22 =	simm.s32 $0x1BFF;
	s21 =	sshll.u32 s6, $0x1;
	s3 =	sadd.s32 s4, s19  }
0x9c: {  	s7 =	simm.s32 $0x0;
	s20 =	sshll.u32 s5, $0x1;
	s5 =	sadd.s32 s21, s3  }
0x9d: {  	[timem:s7], [sflag:s22] =	dma.local [hbm:s5], s20  }
0x9e: {  	_ =	swait.ge [sflag:s22], s20  }
0x9f: {  	s4 =	ssub.s32 $0x0, s20;
	[sflag:s22] =	ssyncset.done $0x0  }
0xa0: {  	[sflag:s22] =	ssyncadd.s32 s4;
	_ =	sdelay $0x1  }
0xa1: {  	s23 =	simm.s32 $0x1B8B  }
0xa2: {  	_ =	swait.ge [sflag:s23], $0x1  }
0xa3: {  	[sflag:s23] =	ssyncset.done $0x0  }
0xa4: {  	s25 =	simm.s32 $0x1B8E;
	s24 =	sld [smem:$0x3FFE];
	[sflag:s23] =	ssyncadd.s32 $0xFFFFFFFF  }
0xa5: {  	s26 =	simm.s32 $execute0_lowered;
	[smem:$0x3FD2] =	sst s25  }
0xa6: {  	s5 =	sshll.u32 s26, $0x1;
	_ =	strace $0x80000046;
	[dreg:$0x1] =	wrdreg $0xFFFFFFFF  }
0xa7: {  	s28 =	simm.s32 $_size_execute0_lowered;
	s3 =	sadd.s32 s3, s5;
	[dreg:$0x0] =	wrdreg $0x0  }
0xa8: {  	s5 =	sshll.u32 s28, $0x1;
	[dreg:$0x2] =	wrdreg s3  }
0xa9: {  	[dreg:$0x3] =	wrdreg s5  }
0xaa: {  	[dreg:$0x4] =	wrdreg $0xC0  }
0xab: {  	_ =	task [dreg:s7], $0x5FFFF  }
0xac: {  	[dreg:$0x1] =	wrdreg $0xFFFFFFFF  }
0xad: {  	[dreg:$0x0] =	wrdreg $0x60  }
0xae: {  	[dreg:$0x2] =	wrdreg s2  }
0xaf: {  	[dreg:$0x3] =	wrdreg s24  }
0xb0: {  	[dreg:$0x4] =	wrdreg $0xB3000  }
0xb1: {  	[dreg:$0x5] =	wrdreg $0xA  }
0xb2: {  	_ =	task.clear_ibuf [dreg:s7], $0x6FFFF;
	_ =	strace $0x90000046  }
0xb3: {  	s29 =	simm.s32 $0xA;
	_ =	strace $0x80000048  }
0xb4: {  	_ =	swait.ge [sflag:s29], $0x1  }
0xb5: {  	[sflag:s29] =	ssyncadd.s32 $0xFFFFFFFF  }
0xb6: {  	_ =	strace $0x90000048  }
0xb7: {  	_ =	sfence  }
0xb8: {  	s30 =	sld [smem:$0x0];
	_ =	sdelay $0x2  }
0xb9: {  	s31 =	sshll.u32 s1, $0xD;
	s1 =	sshrl.u32 s1, $0x2  }
0xba: {  	s3 =	sand.u32 $0x4000, s31;
	s1 =	sadd.s32 s1, s30  }
0xbb: {  	s0 =	sor.u32 s3, s0;
	s1 =	sshll.u32 s1, $0x11  }
0xbc: {  	s0 =	sor.u32 s1, s0  }
0xbd: {  	s0 =	sadd.s32 $0x8F2B, s0  }
0xbe: {  	[sflag:s0] =	ssyncadd.remote.s32 $0x1  }
0xbf: {  	_ =	sfence.sel $0xFFFF  }
0xc0: {  	[dreg:$0x0] =	wrdreg $0xFFFFFFFF;
	(pc) =	sbr.abs _section_cstart, $3  }
0xc1: {  	[dreg:$0x1] =	wrdreg $0xFFFFFFFF  }
0xc2: {  	_ =	task.clear_ibuf [dreg:s7], $0x2FFFF;
	_ =	strace $0x9FFFFFFF  }
0xc3: {  	(tm) =	ssettm $0x7FFFFFFF  }
tec
execute0_lowered:
.L_overlay_start_1:
0x0: {  	(tag) =	ssettag $0x1  }
0x1: {  	s1 =	srdreg.scid;
	s4 =	rddreg [dreg:$0x0]  }
0x2: {  	s0 =	stileid.u32;
	s5 =	rddreg [dreg:$0x1]  }
0x3: {  	s2 =	rddreg [dreg:$0x2];
	s3 =	simm.s32 $0x0;
	s15 =	simm.s32 $0x3B00  }
0x4: {  	s16 =	simm.s32 $0x7700;
	s17 =	simm.s32 $0x1;
	s18 =	simm.s32 $0x2  }
0x5: {  	s19 =	simm.s32 $0x3;
	s20 =	simm.s32 $0x4;
	s21 =	simm.s32 $0x3A20  }
0x6: {  	s22 =	simm.s32 $0x0;
	s8 =	sand.u32 $0x1, s1;
	s9 =	smul.u32 $0x7D000, s0  }
0x7: {  	s24 =	sshll.u32 s0, $0x1;
	s1 =	rddreg [dreg:$0x3];
	s13 =	smul.u32 $0x3E80, s0  }
0x8: {  	[smem:$0x7FF] =	sst s3;
	s10 =	sadd.s32 $0x13600, s5;
	s30 =	smul.u32 $0x75300, s0  }
0x9: {  	p0 =	sgt.u32 s0, $0x9;
	s6 =	sor.u32 s8, s24;
	s31 =	smul.u32 $0x3A980, s8  }
0xa: {  	_ =	strace $0x80000047;
	s25 =	ssub.s32 $0x2, s8;
	s7 =	smul.u32 $0x3A98, s6  }
0xb: {  	s11 =	smul.u32 $0x1D4C00, s6;
	s12 =	sshrl.u32 s25, $0x1;
	s9 =	sshrl.u32 s9, $0x2  }
0xc: {  	s4 =	sadd.s32 s4, s13;
	s29 =	smul.u32 $0x3A980, s6;
	s13 =	simm.s32 $0x5  }
0xd: {  	s12 =	ssub.s32 s25, s12;
	s14 =	sadd.s32 s9, s2;
	s7 =	sshrl.u32 s7, $0x3  }
0xe: {  	s26 =	sshrl.u32 s11, $0x3;
	s11 =	sadd.s32 s10, s29;
	s7 =	sadd.s32 s7, s5  }
0xf: {  	s28 =	sadd.s32 s10, s26;
	s8 =	sadd.s32 $0x39300, s11;
	s10 =	sadd.s32 s30, s10  }
0x10: {  	s9 =	sadd.s32 $0x39A80, s11;
	s11 =	sshll.u32 @!p0 s0, $0x6;
	s5 =	sadd.s32 $0x4A00, s7  }
0x11: {  	s6 =	sadd.s32 $0x3A200, s28;
	s7 =	smax.u32 s12, $0x1;
	s10 =	sadd.s32 s31, s10  }
0x12: {  	s11 =	sor.u32 @!p0 $0x1C05, s11;
	s12 =	sshrl.u32 @!p0 s14, $0x3;
	s14 =	simm.s32 $0x78  }
.LBB2_1:
0x13: {  	[spmem:s12], [sflag:s11] =	dma.local @!p0 [hbm:s4], $0x3E80  }
0x14: {  	s23 =	simm.s32 @!p0 $0x5  }
0x15: {  	_ =	swait.ge @!p0 [sflag:s23], $0x3E80  }
0x16: {  	[sflag:s23] =	ssyncset.done @!p0 $0x0  }
0x17: {  	[sflag:s23] =	ssyncadd.s32 @!p0 $0xFFFFC180  }
0x18: {  	[tilespmem:s3], [sflag:$0x5] =	stream.linear.gather [hbm4b:s5+s3], $0x3A98, $0x38;
	[tilespmem:$0x1EB80] =	vst v63  }
0x19: {  	_ =	swait.ge [sflag:s13], $0x3A98  }
0x1a: {  	[sflag:s13] =	ssyncset.done $0x0  }
0x1b: {  	[sflag:s13] =	ssyncadd.s32 $0xFFFFC568  }
0x1c: {  	[bflag:$0x0] =	sbarrier.arrive $0xFFFF  }
0x1d: {  	[tilespmem:s15], [sflag:$0x1] =	stream.indirect.gather [spmem:s2], $0x80, s3, s14, $0xb8;
	[tilespmem:$0x1EB80] =	vst v63  }
0x1e: {  	_ = 	snop  }
0x1f: {  	[tilespmem:s16], [sflag:$0x2] =	stream.indirect.gather [spmem:s2], $0x80, s14, s14, $0xb8;
	[tilespmem:$0x1EB80] =	vst v63  }
0x20: {  	_ =	swait.ge [sflag:s17], $0x3C00  }
0x21: {  	[sflag:s17] =	ssyncset.done $0x0  }
0x22: {  	s30 =	sadd.s32 $0x0, s10;
	[sflag:s17] =	ssyncadd.s32 $0xFFFFC400  }
0x23: {  	[hbm4b:s30+s3] =	stream.linear.scatter [tilespmem:s15], [sflag:$0x3], $0x3C00, $0x38;
	[tilespmem:$0x1EB80] =	vst v63  }
0x24: {  	_ =	swait.ge [sflag:s18], $0x3C00  }
0x25: {  	[sflag:s18] =	ssyncset.done $0x0  }
0x26: {  	s23 =	sadd.s32 $0x780, s30;
	[sflag:s18] =	ssyncadd.s32 $0xFFFFC400  }
0x27: {  	[hbm4b:s23+s3] =	stream.linear.scatter [tilespmem:s16], [sflag:$0x4], $0x3C00, $0x38;
	[tilespmem:$0x1EB80] =	vst v63  }
0x28: {  	_ =	swait.ge [sflag:s19], $0x3C00  }
0x29: {  	[sflag:s19] =	ssyncset.done $0x0  }
0x2a: {  	s31 =	simm.s32 $0xF0;
	[sflag:s19] =	ssyncadd.s32 $0xFFFFC400  }
0x2b: {  	[tilespmem:s15], [sflag:$0x1] =	stream.indirect.gather [spmem:s2], $0x80, s31, s14, $0xb8;
	[tilespmem:$0x1EB80] =	vst v63  }
0x2c: {  	_ =	swait.ge [sflag:s20], $0x3C00  }
0x2d: {  	s24 =	simm.s32 $0xF00;
	[sflag:s20] =	ssyncset.done $0x0  }
0x2e: {  	s25 =	simm.s32 $0x258;
	s23 =	simm.s32 $0x168;
	[sflag:s20] =	ssyncadd.s32 $0xFFFFC400  }
.LBB2_2:
0x2f: {  	[tilespmem:s16], [sflag:$0x2] =	stream.indirect.gather [spmem:s2], $0x80, s23, s14, $0xb8;
	[tilespmem:$0x1EB80] =	vst v63  }
0x30: {  	s26 =	smov.u32 s24;
	s23 =	smov.u32 s25  }
0x31: {  	p1 =	sne.s32 s24, $0x38400;
	s24 =	sadd.s32 $0xF00, s24;
	_ =	swait.ge [sflag:s17], $0x3C00  }
0x32: {  	[sflag:s17] =	ssyncset.done $0x0  }
0x33: {  	s26 =	sadd.s32 s26, s10;
	[sflag:s17] =	ssyncadd.s32 $0xFFFFC400  }
0x34: {  	[hbm4b:s26+s3] =	stream.linear.scatter [tilespmem:s15], [sflag:$0x3], $0x3C00, $0x38;
	[tilespmem:$0x1EB80] =	vst v63  }
0x35: {  	_ =	swait.ge [sflag:s18], $0x3C00  }
0x36: {  	[sflag:s18] =	ssyncset.done $0x0  }
0x37: {  	s26 =	sadd.s32 $0x780, s26;
	[sflag:s18] =	ssyncadd.s32 $0xFFFFC400  }
0x38: {  	[hbm4b:s26+s3] =	stream.linear.scatter [tilespmem:s16], [sflag:$0x4], $0x3C00, $0x38;
	[tilespmem:$0x1EB80] =	vst v63  }
0x39: {  	_ =	swait.ge [sflag:s19], $0x3C00  }
0x3a: {  	[sflag:s19] =	ssyncset.done $0x0  }
.Ltmp0:
0x3b: {  	s26 =	sadd.s32 $0xFFFFFF88, s25;
	[sflag:s19] =	ssyncadd.s32 $0xFFFFC400;
	(pc) =	sbr.rel @p1 .LBB2_2-.Ltmp0, $4  }
0x3c: {  	[tilespmem:s15], [sflag:$0x1] =	stream.indirect.gather [spmem:s2], $0x80, s26, s14, $0xb8;
	[tilespmem:$0x1EB80] =	vst v63  }
0x3d: {  	_ =	swait.ge [sflag:s20], $0x3C00  }
0x3e: {  	[sflag:s20] =	ssyncset.done $0x0  }
0x3f: {  	s25 =	sadd.s32 $0xF0, s25;
	[sflag:s20] =	ssyncadd.s32 $0xFFFFC400  }
0x40: {  	[tilespmem:s16], [sflag:$0x2] =	stream.indirect.gather [spmem:s2], $0x80, s23, s14, $0xb8;
	[tilespmem:$0x1EB80] =	vst v63  }
0x41: {  	_ =	swait.ge [sflag:s17], $0x3C00  }
0x42: {  	[sflag:s17] =	ssyncset.done $0x0  }
0x43: {  	[sflag:s17] =	ssyncadd.s32 $0xFFFFC400  }
0x44: {  	[hbm4b:s8+s3] =	stream.linear.scatter [tilespmem:s15], [sflag:$0x3], $0x3C00, $0x38;
	[tilespmem:$0x1EB80] =	vst v63  }
0x45: {  	_ =	swait.ge [sflag:s18], $0x3C00  }
0x46: {  	[sflag:s18] =	ssyncset.done $0x0  }
0x47: {  	[sflag:s18] =	ssyncadd.s32 $0xFFFFC400  }
0x48: {  	[hbm4b:s9+s3] =	stream.linear.scatter [tilespmem:s16], [sflag:$0x4], $0x3C00, $0x38;
	[tilespmem:$0x1EB80] =	vst v63  }
0x49: {  	_ =	swait.ge [sflag:s19], $0x3C00  }
0x4a: {  	[sflag:s19] =	ssyncset.done $0x0  }
0x4b: {  	[sflag:s19] =	ssyncadd.s32 $0xFFFFC400  }
0x4c: {  	[tilespmem:s15], [sflag:$0x1] =	stream.indirect.gather [spmem:s2], $0x80, s21, s14, $0xb8;
	[tilespmem:$0x1EB80] =	vst v63  }
0x4d: {  	_ =	swait.ge [sflag:s20], $0x3C00  }
0x4e: {  	[sflag:s20] =	ssyncset.done $0x0  }
0x4f: {  	[sflag:s20] =	ssyncadd.s32 $0xFFFFC400  }
0x50: {  	s22 =	sadd.s32 $0x1, s22;
	_ =	swait.ge [sflag:s17], $0x3C00  }
0x51: {  	p1 =	sne.s32 s22, s7;
	[sflag:s17] =	ssyncset.done $0x0  }
.Ltmp1:
0x52: {  	[sflag:s17] =	ssyncadd.s32 $0xFFFFC400;
	(pc) =	sbr.rel @p1 .LBB2_1-.Ltmp1, $4  }
0x53: {  	[hbm4b:s6+s3] =	stream.linear.scatter [tilespmem:s15], [sflag:$0x3], $0x3C00, $0x38;
	[tilespmem:$0x1EB80] =	vst v63  }
0x54: {  	_ =	swait.ge [sflag:s19], $0x3C00  }
0x55: {  	[sflag:s19] =	ssyncset.done $0x0  }
0x56: {  	[sflag:s19] =	ssyncadd.s32 $0xFFFFC400  }
0x57: {  	_ =	sfence.sel $0x180000  }
0x58: {  	[bflag:$0x0] =	sbarrier.arrive $0xFFFF  }
0x59: {  	p0 =	sne.s32 s0, $0x0;
	_ =	strace $0x90000047  }
0x5a: {  	s0 =	sadd.s32 @!p0 $0x100000, s1;
	[bflag:$0x2] =	sbarrier.arrive $0xFFFF  }
0x5b: {  	[sflag:s0] =	ssyncadd.tile.s32 @!p0 $0x1;
	_ =	shalt  }
.Lfunc_end2:
_tile_overlayer_lowered:
.L_overlay_start_2:
0x5c: {  	(tag) =	ssettag $0x2  }
0x5d: {  	s0 =	rddreg [dreg:$0x0];
	s2 =	stileid.u32  }
0x5e: {  	s1 =	rddreg [dreg:$0x1];
	p0 =	sne.s32 s2, $0x0  }
0x5f: {  	s3 =	rddreg [dreg:$0x2];
	[bflag:$0x3] =	sbarrier.arrive $0xFFFF;
	s2 =	simm.s32 @!p0 $0x1C05  }
0x60: {  	[timem:s3], [sflag:s2] =	dma.local @!p0 [hbm:s0], s1  }
0x61: {  	s0 =	simm.s32 @!p0 $0x5  }
0x62: {  	_ =	swait.ge @!p0 [sflag:s0], s1  }
0x63: {  	s1 =	ssub.s32 @!p0 $0x0, s1;
	[sflag:s0] =	ssyncset.done @!p0 $0x0  }
0x64: {  	[sflag:s0] =	ssyncadd.s32 @!p0 s1  }
0x65: {  	[bflag:$0x3] =	sbarrier.arrive $0xFFFF  }
0x66: {  	_ =	shalt  }

// kernel: kernel.15.cloned.1.call-start
scs
__scs_entry_jumppad:
0x0: {  	(pc) =	sbr.rel $0x88, $3  }
0x1: {  	(tag) =	ssettag $0x0;
	lr =	simm.s32 $0x1  }
0x2: {  	[smem:$0x3F98] =	sst lr;
	_ =	strace $0xD0000000  }
0x3: {  	_ = 	snop  }
0x4: {  	_ = 	snop  }
0x5: {  	_ = 	snop  }
0x6: {  	_ = 	snop  }
0x7: {  	_ = 	snop  }
__scs_overlays_trampoline_lowered:
0x8: {  	[smem:$0x3FA7] =	sst s0  }
0x9: {  	[smem:$0x3FA8] =	sst s1  }
0xa: {  	[smem:$0x3FA9] =	sst s2  }
0xb: {  	[smem:$0x3FAA] =	sst s3  }
0xc: {  	[smem:$0x3FAB] =	sst s4  }
0xd: {  	[smem:$0x3FAC] =	sst s5  }
0xe: {  	[smem:$0x3FAD] =	sst s6  }
0xf: {  	[smem:$0x3FAE] =	sst s7  }
0x10: {  	[smem:$0x3FAF] =	sst s8  }
0x11: {  	[smem:$0x3FB0] =	sst s9;
	s0 =	simm.s32 @!p0 $0x0  }
0x12: {  	s1 =	sld [smem:$0x3F96];
	s0 =	simm.s32 @p0 $0x1  }
0x13: {  	[smem:$0x3FB1] =	sst s0;
	s0 =	simm.s32 @!p1 $0x0  }
0x14: {  	s2 =	sld [smem:$0x3F95];
	s0 =	simm.s32 @p1 $0x1  }
0x15: {  	[smem:$0x3FB2] =	sst s0;
	s0 =	simm.s32 @!p2 $0x0  }
0x16: {  	s3 =	sld [smem:$0x3FDB];
	s0 =	simm.s32 @p2 $0x1  }
0x17: {  	s4 =	simm.s32 $0x1BF5;
	[smem:$0x3FB4] =	sst s0  }
0x18: {  	s0 =	sld [smem:$0x3F97];
	_ =	swait.ge [sflag:s4], $0x0  }
0x19: {  	s7 =	sld [smem:$0x3F98]  }
0x1a: {  	s8 =	sadd.s32 $0xFFFFE003, lr  }
0x1b: {  	s9 =	sadd.s32 $0xFFFFFEF7, lr;
	s5 =	simm.s32 $0xFFFFFFFF;
	p2 =	slt.u32 s8, $0xFFFFF086  }
0x1c: {  	p1 =	slt.u32 s9, $0xF7A;
	s5 =	simm.s32 @!p2 $0x0  }
0x1d: {  	s5 =	simm.s32 @p1 $0x1;
	p0 =	seq.s32 s7, s2  }
0x1e: {  	s7 =	smul.u32 @!p0 $0xF7A, s2;
	p2 =	seq.s32 @!p0 s5, $0x0  }
0x1f: {  	s9 =	smul.u32 $0xF7A, s1;
	s8 =	simm.s32 @!p0 $0x1BF5;
	p2 =	por !p2, p0  }
0x20: {  	[sflag:s8] =	ssyncset.s32 @!p0 $0xFFFFF086;
	s6 =	sadd.s32 @!p0 s3, s7;
	s7 =	simm.s32 @!p0 $0x108  }
0x21: {  	s3 =	sadd.s32 s3, s9;
	s6 =	sadd.s32 @!p0 $0x88, s6;
	s7 =	simm.s32 @p2 $0x1082  }
0x22: {  	[simem:s7], [sflag:s8] =	dma.local @!p0 [hbm:s6], $0xF7A  }
0x23: {  	s9 =	sor.u32 $0xD0000000, s2;
	s6 =	simm.s32 $0x108;
	_ =	swait.ge @!p0 [sflag:s8], $0x0  }
0x24: {  	s3 =	sadd.s32 $0x88, s3;
	s6 =	simm.s32 @!p1 $0x1082;
	[sflag:s4] =	ssyncset.s32 $0xFFFFF086  }
0x25: {  	[simem:s6], [sflag:s4] =	dma.local [hbm:s3], $0xF7A  }
0x26: {  	[smem:$0x3F98] =	sst s1;
	(tag) =	ssettag s2;
	_ =	strace s9  }
0x27: {  	s1 =	sld [smem:$0x3FA8]  }
0x28: {  	s2 =	sld [smem:$0x3FA9]  }
0x29: {  	s4 =	sld [smem:$0x3FAB]  }
0x2a: {  	p0 =	seq.s32 s5, $0x0;
	s5 =	sld [smem:$0x3FAC]  }
0x2b: {  	s6 =	sld [smem:$0x3FAD]  }
0x2c: {  	s7 =	sld [smem:$0x3FAE]  }
0x2d: {  	s3 =	simm.s32 $0x108;
	s8 =	sld [smem:$0x3FAF]  }
0x2e: {  	s3 =	simm.s32 @!p0 $0x1082;
	s9 =	sld [smem:$0x3FB0]  }
0x2f: {  	lr =	sadd.s32 s0, s3;
	s0 =	sld [smem:$0x3FA7]  }
0x30: {  	s3 =	sld [smem:$0x3FAA]  }
0x31: {  	[smem:$0x3FB3] =	sst s10  }
0x32: {  	s10 =	sld [smem:$0x3FB1];
	_ =	sdelay $0x3  }
0x33: {  	p0 =	seq.s32 s10, $0x1;
	s10 =	sld [smem:$0x3FB3];
	_ =	sdelay $0x3  }
0x34: {  	[smem:$0x3FB3] =	sst s10  }
0x35: {  	s10 =	sld [smem:$0x3FB2];
	_ =	sdelay $0x3  }
0x36: {  	p1 =	seq.s32 s10, $0x1;
	s10 =	sld [smem:$0x3FB3];
	_ =	sdelay $0x3  }
0x37: {  	[smem:$0x3FB3] =	sst s10  }
0x38: {  	s10 =	sld [smem:$0x3FB4]  }
0x39: {  	_ = 	snop;
	(pc) =	sbr.ind lr, $3  }
0x3a: {  	_ = 	snop  }
0x3b: {  	_ = 	snop  }
0x3c: {  	p2 =	seq.s32 s10, $0x1;
	s10 =	sld [smem:$0x3FB3]  }
0x3d: {  	_ =	shalt  }
0x3e: {  	_ =	shalt  }
0x3f: {  	_ =	shalt  }
0x40: {  	_ =	shalt  }
0x41: {  	_ =	shalt  }
0x42: {  	_ =	shalt  }
0x43: {  	_ =	shalt  }
0x44: {  	_ =	shalt  }
0x45: {  	_ =	shalt  }
0x46: {  	_ =	shalt  }
0x47: {  	_ =	shalt  }
0x48: {  	_ =	shalt  }
0x49: {  	_ =	shalt  }
0x4a: {  	_ =	shalt  }
0x4b: {  	_ =	shalt  }
0x4c: {  	_ =	shalt  }
0x4d: {  	_ =	shalt  }
0x4e: {  	_ =	shalt  }
0x4f: {  	_ =	shalt  }
0x50: {  	_ =	shalt  }
0x51: {  	_ =	shalt  }
0x52: {  	_ =	shalt  }
0x53: {  	_ =	shalt  }
0x54: {  	_ =	shalt  }
0x55: {  	_ =	shalt  }
0x56: {  	_ =	shalt  }
0x57: {  	_ =	shalt  }
0x58: {  	_ =	shalt  }
0x59: {  	_ =	shalt  }
0x5a: {  	_ =	shalt  }
0x5b: {  	_ =	shalt  }
0x5c: {  	_ =	shalt  }
0x5d: {  	_ =	shalt  }
0x5e: {  	_ =	shalt  }
0x5f: {  	_ =	shalt  }
0x60: {  	_ =	shalt  }
0x61: {  	_ =	shalt  }
0x62: {  	_ =	shalt  }
0x63: {  	_ =	shalt  }
0x64: {  	_ =	shalt  }
0x65: {  	_ =	shalt  }
0x66: {  	_ =	shalt  }
0x67: {  	_ =	shalt  }
0x68: {  	_ =	shalt  }
0x69: {  	_ =	shalt  }
0x6a: {  	_ =	shalt  }
0x6b: {  	_ =	shalt  }
0x6c: {  	_ =	shalt  }
0x6d: {  	_ =	shalt  }
0x6e: {  	_ =	shalt  }
0x6f: {  	_ =	shalt  }
0x70: {  	_ =	shalt  }
0x71: {  	_ =	shalt  }
0x72: {  	_ =	shalt  }
0x73: {  	_ =	shalt  }
0x74: {  	_ =	shalt  }
0x75: {  	_ =	shalt  }
0x76: {  	_ =	shalt  }
0x77: {  	_ =	shalt  }
0x78: {  	_ =	shalt  }
0x79: {  	_ =	shalt  }
0x7a: {  	_ =	shalt  }
0x7b: {  	_ =	shalt  }
0x7c: {  	_ =	shalt  }
0x7d: {  	_ =	shalt  }
0x7e: {  	_ =	shalt  }
0x7f: {  	_ =	shalt  }
0x80: {  	_ =	shalt  }
0x81: {  	_ =	shalt  }
0x82: {  	_ =	shalt  }
0x83: {  	_ =	shalt  }
0x84: {  	_ =	shalt  }
0x85: {  	_ =	shalt  }
0x86: {  	_ =	shalt  }
0x87: {  	_ =	shalt  }
.Lfunc_end0:
.L_simem_size_0:
called_computation.2_lowered:
.L_overlay_start_0:
0x88: {  	s2 =	sld [smem:$0x3FD9]  }
0x89: {  	s3 =	sld [smem:$0x3FFE];
	_ =	sdelay $0x1  }
0x8a: {  	s1 =	srdreg.scid  }
0x8b: {  	s0 =	sand.u32 $0x1, s1  }
0x8c: {  	s17 =	sshll.u32 s0, $0xA;
	s2 =	sadd.s32 s3, s2  }
0x8d: {  	s2 =	sadd.s32 s2, s17  }
0x8e: {  	[smem:$0x3FBF] =	sst s2  }
0x8f: {  	_ = 	snop  }
0x90: {  	s18 =	sld [smem:$0x3FD0];
	(tm) =	ssettm $0x1  }
0x91: {  	s19 =	sld [smem:$0x3FFB];
	_ =	sdelay $0x3  }
0x92: {  	_ =	strace s19  }
0x93: {  	s2 =	sld [smem:$0x3FFC];
	_ =	sdelay $0x3  }
0x94: {  	_ =	strace s2  }
0x95: {  	s2 =	sld [smem:$0x3FFD];
	_ =	sdelay $0x3  }
0x96: {  	_ =	strace s2  }
0x97: {  	_ =	strace $0x8FFFFFFF  }
0x98: {  	s20 =	sld [smem:$0x3FDB];
	_ =	sdelay $0x1  }
0x99: {  	s4 =	simm.s32 $_scs_section_size  }
0x9a: {  	s5 =	simm.s32 $_size__tile_overlayer_lowered;
	s6 =	simm.s32 $_tile_overlayer_lowered  }
0x9b: {  	s7 =	simm.s32 $0x1BFF;
	s21 =	sshll.u32 s6, $0x1;
	s4 =	sadd.s32 s4, s20  }
0x9c: {  	s22 =	simm.s32 $0x0;
	s5 =	sshll.u32 s5, $0x1;
	s6 =	sadd.s32 s21, s4  }
0x9d: {  	[timem:s22], [sflag:s7] =	dma.local [hbm:s6], s5  }
0x9e: {  	_ =	swait.ge [sflag:s7], s5  }
0x9f: {  	s5 =	ssub.s32 $0x0, s5;
	[sflag:s7] =	ssyncset.done $0x0  }
0xa0: {  	[sflag:s7] =	ssyncadd.s32 s5;
	_ =	sdelay $0x1  }
0xa1: {  	s23 =	simm.s32 $0x1B8B  }
0xa2: {  	_ =	swait.ge [sflag:s23], $0x1  }
0xa3: {  	[sflag:s23] =	ssyncset.done $0x0  }
0xa4: {  	[sflag:s23] =	ssyncadd.s32 $0xFFFFFFFF  }
0xa5: {  	s5 =	sld [smem:$0x0]  }
0xa6: {  	s6 =	sand.u32 $0xFFFFFFFE, s1  }
0xa7: {  	p0 =	sne.s32 s1, s6  }
0xa8: {  	s6 =	sshll.u32 @p0 s6, $0xE  }
0xa9: {  	s6 =	sadd.s32 @p0 $0x11B8D, s6;
	s7 =	sshll.u32 @p0 s5, $0x11  }
0xaa: {  	s6 =	sor.u32 @p0 s7, s6  }
0xab: {  	[sflag:s6] =	ssyncadd.remote.s32 @p0 $0x1;
	_ =	sdelay $0x1  }
0xac: {  	s6 =	simm.s32 @p0 $0x1B8D  }
0xad: {  	_ =	swait.eq @p0 [sflag:s6], $0x1  }
0xae: {  	[sflag:s6] =	ssyncadd.s32 @p0 $0xFFFFFFFF  }
0xaf: {  	s7 =	sshll.u32 @!p0 s1, $0xE  }
0xb0: {  	s7 =	sor.u32 @!p0 $0x4000, s7;
	s6 =	simm.s32 @!p0 $0x1B8D  }
0xb1: {  	s5 =	sshll.u32 @!p0 s5, $0x11;
	s7 =	sadd.s32 @!p0 $0x11B8D, s7;
	_ =	swait.eq @!p0 [sflag:s6], $0x1  }
0xb2: {  	s5 =	sor.u32 @!p0 s5, s7;
	[sflag:s6] =	ssyncadd.s32 @!p0 $0xFFFFFFFF  }
0xb3: {  	s25 =	simm.s32 $0x1B8E;
	s24 =	sld [smem:$0x3FFE];
	[sflag:s5] =	ssyncadd.remote.s32 @!p0 $0x1  }
0xb4: {  	s26 =	simm.s32 $execute0_lowered;
	[smem:$0x3FD2] =	sst s25  }
0xb5: {  	s6 =	sshll.u32 s26, $0x1;
	_ =	strace $0x8000004F;
	[dreg:$0x1] =	wrdreg $0xFFFFFFFF  }
0xb6: {  	s28 =	simm.s32 $_size_execute0_lowered;
	s4 =	sadd.s32 s4, s6;
	[dreg:$0x0] =	wrdreg $0x0  }
0xb7: {  	s6 =	sshll.u32 s28, $0x1;
	[dreg:$0x2] =	wrdreg s4  }
0xb8: {  	[dreg:$0x3] =	wrdreg s6  }
0xb9: {  	[dreg:$0x4] =	wrdreg $0xC0  }
0xba: {  	_ =	task [dreg:s22], $0x5FFFF  }
0xbb: {  	[dreg:$0x1] =	wrdreg $0xFFFFFFFF  }
0xbc: {  	[dreg:$0x0] =	wrdreg $0x60  }
0xbd: {  	[dreg:$0x2] =	wrdreg s24  }
0xbe: {  	[dreg:$0x3] =	wrdreg s18  }
0xbf: {  	[dreg:$0x4] =	wrdreg $0x81000  }
0xc0: {  	[dreg:$0x5] =	wrdreg $0x9  }
0xc1: {  	_ =	task.clear_ibuf [dreg:s22], $0x6FFFF;
	_ =	strace $0x9000004F  }
0xc2: {  	s29 =	simm.s32 $0x9;
	_ =	strace $0x80000051  }
0xc3: {  	_ =	swait.ge [sflag:s29], $0x1  }
0xc4: {  	[sflag:s29] =	ssyncadd.s32 $0xFFFFFFFF  }
0xc5: {  	_ =	strace $0x90000051  }
0xc6: {  	_ =	sfence  }
0xc7: {  	s30 =	sld [smem:$0x0];
	_ =	sdelay $0x2  }
0xc8: {  	s31 =	sshll.u32 s1, $0xD;
	s1 =	sshrl.u32 s1, $0x2  }
0xc9: {  	s4 =	sand.u32 $0x4000, s31;
	s1 =	sadd.s32 s1, s30  }
0xca: {  	s0 =	sor.u32 s4, s0;
	s1 =	sshll.u32 s1, $0x11  }
0xcb: {  	s0 =	sor.u32 s1, s0  }
0xcc: {  	s0 =	sadd.s32 $0x8F2B, s0  }
0xcd: {  	[sflag:s0] =	ssyncadd.remote.s32 $0x1  }
0xce: {  	_ =	sfence.sel $0xFFFF  }
0xcf: {  	[dreg:$0x0] =	wrdreg $0xFFFFFFFF;
	(pc) =	sbr.abs _section_cstart, $3  }
0xd0: {  	[dreg:$0x1] =	wrdreg $0xFFFFFFFF  }
0xd1: {  	_ =	task.clear_ibuf [dreg:s22], $0x2FFFF;
	_ =	strace $0x9FFFFFFF  }
0xd2: {  	(tm) =	ssettm $0x7FFFFFFF  }
0xd3: {  	_ =	shalt  }
tec
execute0_lowered:
.L_overlay_start_1:
0x0: {  	(tag) =	ssettag $0x1  }
0x1: {  	s5 =	rddreg [dreg:$0x0]  }
0x2: {  	s0 =	rddreg [dreg:$0x1];
	s1 =	srdreg.scid  }
0x3: {  	s2 =	rddreg [dreg:$0x2];
	s3 =	stileid.u32;
	s4 =	simm.s32 $0x0  }
0x4: {  	s16 =	simm.s32 $0x80;
	s17 =	simm.s32 $0x4100;
	s18 =	simm.s32 $0x4  }
0x5: {  	s19 =	simm.s32 $0x2;
	s20 =	simm.s32 $0x3;
	s8 =	sand.u32 $0x1, s1  }
0x6: {  	s1 =	rddreg [dreg:$0x3];
	s6 =	smul.u32 $0x1F400, s3;
	s12 =	sadd.s32 $0x275A00, s5  }
0x7: {  	[smem:$0x7FF] =	sst s4;
	s13 =	sadd.s32 $0x1196200, s5;
	s14 =	smul.u32 $0x7D000, s3  }
0x8: {  	s30 =	sshll.u32 s3, $0x4;
	s31 =	sshll.u32 s3, $0xB;
	s11 =	smul.u32 $0x138800, s8  }
0x9: {  	p0 =	sne.s32 s3, $0x0;
	p1 =	sgt.u32 s3, $0x9;
	s7 =	smul.u32 $0x271, s8  }
0xa: {  	_ =	strace $0x80000050;
	s22 =	ssub.s32 $0x2, s8;
	s28 =	smul.u32 $0x2710, s8  }
0xb: {  	s23 =	sshrl.u32 s22, $0x1;
	s25 =	sshrl.u32 s14, $0x2;
	s14 =	simm.s32 $0x100  }
0xc: {  	s6 =	sadd.s32 s6, s11;
	s10 =	sadd.s32 s3, s7;
	s15 =	ssub.s32 s22, s23  }
0xd: {  	s21 =	sadd.s32 s25, s2;
	s22 =	simm.s32 $0x0;
	s6 =	sshrl.u32 s6, $0x3  }
0xe: {  	s7 =	sshll.u32 s10, $0x4;
	s24 =	sshll.u32 s10, $0xB;
	s26 =	sadd.s32 $0x270, s10  }
0xf: {  	s8 =	smax.u32 s15, $0x1;
	s15 =	simm.s32 $0x1;
	s9 =	sadd.s32 s6, s5  }
.Ltmp0:
0x10: {  	s5 =	sadd.s32 s13, s7;
	s6 =	sadd.s32 s12, s24;
	(pc) =	sbr.rel .LBB2_1-.Ltmp0, $4  }
0x11: {  	s10 =	sshll.u32 s26, $0x4;
	s29 =	sshll.u32 s26, $0xB;
	s7 =	sadd.s32 $0xF6E400, s9  }
0x12: {  	s9 =	sadd.s32 s13, s10;
	s10 =	sadd.s32 s12, s29;
	s12 =	sadd.s32 s11, s12  }
0x13: {  	s21 =	sshrl.u32 s21, $0x3;
	s13 =	sadd.s32 s28, s13;
	s12 =	sadd.s32 s31, s12  }
0x14: {  	s11 =	sadd.s32 s30, s13;
	s13 =	sshrl.u32 @!p0 s2, $0x3;
	s12 =	sadd.s32 $0x10000, s12  }
.LBB2_4:
0x15: {  	[tilespmem:s16], [sflag:$0x2] =	stream.linear.gather [hbm4b:s9+s4], $0x80, $0x38;
	[tilespmem:$0x1B980] =	vst v63  }
0x16: {  	_ = 	snop  }
0x17: {  	[tilespmem:s17], [sflag:$0x2] =	stream.linear.gather [hbm4b:s10+s4], $0x4000, $0x38;
	[tilespmem:$0x1B980] =	vst v63  }
0x18: {  	_ = 	snop  }
0x19: {  	[spmem:s2] =	stream.indirect.scatter.add.f32 [tilespmem:s14], [sflag:$0x4], $0x80, s4, s16, $0xb8;
	[tilespmem:$0x1B980] =	vst v63  }
0x1a: {  	_ =	swait.ge [sflag:s18], $0x4000  }
0x1b: {  	[sflag:s18] =	ssyncset.done $0x0  }
0x1c: {  	[sflag:s18] =	ssyncadd.s32 $0xFFFFC000  }
0x1d: {  	_ =	swait.ge [sflag:s19], $0x80  }
0x1e: {  	[sflag:s19] =	ssyncset.done $0x0  }
0x1f: {  	[sflag:s19] =	ssyncadd.s32 $0xFFFFFF80  }
0x20: {  	_ =	swait.ge [sflag:s19], $0x4000  }
0x21: {  	[sflag:s19] =	ssyncset.done $0x0  }
0x22: {  	[sflag:s19] =	ssyncadd.s32 $0xFFFFC000  }
0x23: {  	[spmem:s2] =	stream.indirect.scatter.add.f32 [tilespmem:s17], [sflag:$0x3], $0x80, s16, s16, $0xb8;
	[tilespmem:$0x1B980] =	vst v63  }
0x24: {  	_ =	swait.ge [sflag:s20], $0x4000  }
0x25: {  	[sflag:s20] =	ssyncset.done $0x0  }
0x26: {  	[sflag:s20] =	ssyncadd.s32 $0xFFFFC000  }
0x27: {  	[bflag:$0x0] =	sbarrier.arrive $0xFFFF  }
.LBB2_6:
0x28: {  	s23 =	sshll.u32 s3, $0x6  }
0x29: {  	s23 =	sor.u32 $0x1C03, s23  }
0x2a: {  	[hbm:s7], [sflag:s23] =	dma.local [spmem:s21], $0x3E80  }
0x2b: {  	_ =	swait.ge [sflag:s20], $0x3E80  }
0x2c: {  	[sflag:s20] =	ssyncset.done $0x0  }
0x2d: {  	[sflag:s20] =	ssyncadd.s32 $0xFFFFC180  }
.LBB2_7:
0x2e: {  	s22 =	sadd.s32 $0x1, s22  }
0x2f: {  	p2 =	sne.s32 s22, s8  }
.Ltmp1:
0x30: {  	_ = 	snop;
	(pc) =	sbr.rel @!p2 .LBB2_8-.Ltmp1, $1  }
0x31: {  	_ =	sdelay $0x3  }
.LBB2_1:
0x32: {  	s23 =	simm.s32 @!p0 $0x1C03  }
0x33: {  	[spmem:s13], [sflag:s23] =	dma.local @!p0 [hbm:s0], $0x27100  }
0x34: {  	s23 =	simm.s32 @!p0 $0x3  }
0x35: {  	_ =	swait.ge @!p0 [sflag:s23], $0x27100  }
0x36: {  	[sflag:s23] =	ssyncset.done @!p0 $0x0  }
0x37: {  	[sflag:s23] =	ssyncadd.s32 @!p0 $0xFFFD8F00  }
0x38: {  	[bflag:$0x0] =	sbarrier.arrive $0xFFFF  }
0x39: {  	[tilespmem:s4], [sflag:$0x1] =	stream.linear.gather [hbm4b:s5+s4], $0x80, $0x38;
	[tilespmem:$0x1B980] =	vst v63  }
0x3a: {  	_ = 	snop  }
0x3b: {  	[tilespmem:s14], [sflag:$0x1] =	stream.linear.gather [hbm4b:s6+s4], $0x4000, $0x38;
	[tilespmem:$0x1B980] =	vst v63  }
0x3c: {  	_ =	swait.ge [sflag:s15], $0x80  }
0x3d: {  	[sflag:s15] =	ssyncset.done $0x0  }
0x3e: {  	[sflag:s15] =	ssyncadd.s32 $0xFFFFFF80  }
0x3f: {  	_ =	swait.ge [sflag:s15], $0x4000  }
0x40: {  	s30 =	sadd.s32 $0x0, s11;
	[sflag:s15] =	ssyncset.done $0x0  }
0x41: {  	s24 =	sadd.s32 $0x100, s30;
	[sflag:s15] =	ssyncadd.s32 $0xFFFFC000  }
0x42: {  	[tilespmem:s16], [sflag:$0x2] =	stream.linear.gather [hbm4b:s24+s4], $0x80, $0x38;
	[tilespmem:$0x1B980] =	vst v63  }
0x43: {  	s31 =	sadd.s32 $0xFFFF8000, s12  }
0x44: {  	[tilespmem:s17], [sflag:$0x2] =	stream.linear.gather [hbm4b:s31+s4], $0x4000, $0x38;
	[tilespmem:$0x1B980] =	vst v63  }
0x45: {  	_ = 	snop  }
0x46: {  	[spmem:s2] =	stream.indirect.scatter.add.f32 [tilespmem:s14], [sflag:$0x4], $0x80, s4, s16, $0xb8;
	[tilespmem:$0x1B980] =	vst v63  }
0x47: {  	_ =	swait.ge [sflag:s18], $0x4000  }
0x48: {  	[sflag:s18] =	ssyncset.done $0x0  }
0x49: {  	[sflag:s18] =	ssyncadd.s32 $0xFFFFC000  }
0x4a: {  	_ =	swait.ge [sflag:s19], $0x80  }
0x4b: {  	[sflag:s19] =	ssyncset.done $0x0  }
0x4c: {  	[sflag:s19] =	ssyncadd.s32 $0xFFFFFF80  }
0x4d: {  	_ =	swait.ge [sflag:s19], $0x4000  }
0x4e: {  	[sflag:s19] =	ssyncset.done $0x0  }
0x4f: {  	s23 =	sadd.s32 $0x200, s30;
	[sflag:s19] =	ssyncadd.s32 $0xFFFFC000  }
0x50: {  	[tilespmem:s4], [sflag:$0x1] =	stream.linear.gather [hbm4b:s23+s4], $0x80, $0x38;
	[tilespmem:$0x1B980] =	vst v63  }
0x51: {  	_ = 	snop  }
0x52: {  	[tilespmem:s14], [sflag:$0x1] =	stream.linear.gather [hbm4b:s12+s4], $0x4000, $0x38;
	[tilespmem:$0x1B980] =	vst v63  }
0x53: {  	_ = 	snop  }
0x54: {  	[spmem:s2] =	stream.indirect.scatter.add.f32 [tilespmem:s17], [sflag:$0x3], $0x80, s16, s16, $0xb8;
	[tilespmem:$0x1B980] =	vst v63  }
0x55: {  	_ =	swait.ge [sflag:s20], $0x4000  }
0x56: {  	s24 =	smov.u32 s12;
	s23 =	simm.s32 $0x200;
	[sflag:s20] =	ssyncset.done $0x0  }
.LBB2_2:
0x57: {  	p2 =	sne.s32 s23, $0x2400;
	[sflag:s20] =	ssyncadd.s32 $0xFFFFC000;
	s24 =	sadd.s32 $0x10000, s24  }
0x58: {  	s25 =	smov.u32 s23;
	s23 =	sadd.s32 $0x200, s23  }
0x59: {  	_ =	swait.ge [sflag:s15], $0x80  }
0x5a: {  	[sflag:s15] =	ssyncset.done $0x0  }
0x5b: {  	[sflag:s15] =	ssyncadd.s32 $0xFFFFFF80  }
0x5c: {  	_ =	swait.ge [sflag:s15], $0x4000  }
0x5d: {  	s25 =	sadd.s32 s25, s11;
	[sflag:s15] =	ssyncset.done $0x0  }
0x5e: {  	s26 =	sadd.s32 $0x100, s25;
	[sflag:s15] =	ssyncadd.s32 $0xFFFFC000  }
0x5f: {  	[tilespmem:s16], [sflag:$0x2] =	stream.linear.gather [hbm4b:s26+s4], $0x80, $0x38;
	[tilespmem:$0x1B980] =	vst v63  }
0x60: {  	s26 =	sadd.s32 $0xFFFF8000, s24  }
0x61: {  	[tilespmem:s17], [sflag:$0x2] =	stream.linear.gather [hbm4b:s26+s4], $0x4000, $0x38;
	[tilespmem:$0x1B980] =	vst v63  }
0x62: {  	_ = 	snop  }
0x63: {  	[spmem:s2] =	stream.indirect.scatter.add.f32 [tilespmem:s14], [sflag:$0x4], $0x80, s4, s16, $0xb8;
	[tilespmem:$0x1B980] =	vst v63  }
0x64: {  	_ =	swait.ge [sflag:s18], $0x4000  }
0x65: {  	[sflag:s18] =	ssyncset.done $0x0  }
0x66: {  	[sflag:s18] =	ssyncadd.s32 $0xFFFFC000  }
0x67: {  	_ =	swait.ge [sflag:s19], $0x80  }
0x68: {  	[sflag:s19] =	ssyncset.done $0x0  }
0x69: {  	[sflag:s19] =	ssyncadd.s32 $0xFFFFFF80  }
0x6a: {  	_ =	swait.ge [sflag:s19], $0x4000  }
0x6b: {  	[sflag:s19] =	ssyncset.done $0x0  }
0x6c: {  	s25 =	sadd.s32 $0x200, s25;
	[sflag:s19] =	ssyncadd.s32 $0xFFFFC000  }
0x6d: {  	[tilespmem:s4], [sflag:$0x1] =	stream.linear.gather [hbm4b:s25+s4], $0x80, $0x38;
	[tilespmem:$0x1B980] =	vst v63  }
0x6e: {  	_ = 	snop  }
0x6f: {  	[tilespmem:s14], [sflag:$0x1] =	stream.linear.gather [hbm4b:s24+s4], $0x4000, $0x38;
	[tilespmem:$0x1B980] =	vst v63  }
.Ltmp2:
0x70: {  	_ = 	snop;
	(pc) =	sbr.rel @p2 .LBB2_2-.Ltmp2, $4  }
0x71: {  	_ = 	snop  }
0x72: {  	[spmem:s2] =	stream.indirect.scatter.add.f32 [tilespmem:s17], [sflag:$0x3], $0x80, s16, s16, $0xb8;
	[tilespmem:$0x1B980] =	vst v63  }
0x73: {  	_ =	swait.ge [sflag:s20], $0x4000  }
0x74: {  	[sflag:s20] =	ssyncset.done $0x0  }
0x75: {  	[sflag:s20] =	ssyncadd.s32 $0xFFFFC000  }
0x76: {  	_ =	swait.ge [sflag:s15], $0x80  }
.Ltmp3:
0x77: {  	[sflag:s15] =	ssyncset.done $0x0;
	(pc) =	sbr.rel @!p0 .LBB2_4-.Ltmp3, $4  }
0x78: {  	[sflag:s15] =	ssyncadd.s32 $0xFFFFFF80  }
0x79: {  	_ =	swait.ge [sflag:s15], $0x4000  }
0x7a: {  	[sflag:s15] =	ssyncset.done $0x0  }
0x7b: {  	[sflag:s15] =	ssyncadd.s32 $0xFFFFC000  }
0x7c: {  	[spmem:s2] =	stream.indirect.scatter.add.f32 [tilespmem:s14], [sflag:$0x4], $0x80, s4, s16, $0xb8;
	[tilespmem:$0x1B980] =	vst v63  }
.Ltmp4:
0x7d: {  	_ =	swait.ge [sflag:s18], $0x4000;
	(pc) =	sbr.rel @p1 .LBB2_7-.Ltmp4, $4  }
.Ltmp5:
0x7e: {  	[sflag:s18] =	ssyncset.done $0x0;
	(pc) =	sbr.rel @!p1 .LBB2_6-.Ltmp5, $4  }
0x7f: {  	[sflag:s18] =	ssyncadd.s32 $0xFFFFC000  }
0x80: {  	[bflag:$0x0] =	sbarrier.arrive $0xFFFF  }
0x81: {  	_ = 	snop  }
0x82: {  	_ = 	snop  }
.LBB2_8:
0x83: {  	_ =	sfence.sel $0x180000  }
0x84: {  	[bflag:$0x0] =	sbarrier.arrive $0xFFFF  }
0x85: {  	_ =	strace $0x90000050  }
0x86: {  	s0 =	sadd.s32 @!p0 $0x100000, s1;
	[bflag:$0x2] =	sbarrier.arrive $0xFFFF  }
0x87: {  	[sflag:s0] =	ssyncadd.tile.s32 @!p0 $0x1;
	_ =	shalt  }
.Lfunc_end2:
_tile_overlayer_lowered:
.L_overlay_start_2:
0x88: {  	(tag) =	ssettag $0x2  }
0x89: {  	s0 =	rddreg [dreg:$0x0];
	s2 =	stileid.u32  }
0x8a: {  	s1 =	rddreg [dreg:$0x1];
	p0 =	sne.s32 s2, $0x0  }
0x8b: {  	s3 =	rddreg [dreg:$0x2];
	[bflag:$0x3] =	sbarrier.arrive $0xFFFF;
	s2 =	simm.s32 @!p0 $0x1C03  }
0x8c: {  	[timem:s3], [sflag:s2] =	dma.local @!p0 [hbm:s0], s1  }
0x8d: {  	s0 =	simm.s32 @!p0 $0x3  }
0x8e: {  	_ =	swait.ge @!p0 [sflag:s0], s1  }
0x8f: {  	s1 =	ssub.s32 @!p0 $0x0, s1;
	[sflag:s0] =	ssyncset.done @!p0 $0x0  }
0x90: {  	[sflag:s0] =	ssyncadd.s32 @!p0 s1  }
0x91: {  	[bflag:$0x3] =	sbarrier.arrive $0xFFFF  }
0x92: {  	_ =	shalt  }

// kernel: kernel.18.cloned.1.call-start
scs
__scs_entry_jumppad:
0x0: {  	(pc) =	sbr.rel $0x88, $3  }
0x1: {  	(tag) =	ssettag $0x0;
	lr =	simm.s32 $0x1  }
0x2: {  	[smem:$0x3F98] =	sst lr;
	_ =	strace $0xD0000000  }
0x3: {  	_ = 	snop  }
0x4: {  	_ = 	snop  }
0x5: {  	_ = 	snop  }
0x6: {  	_ = 	snop  }
0x7: {  	_ = 	snop  }
__scs_overlays_trampoline_lowered:
0x8: {  	[smem:$0x3FA7] =	sst s0  }
0x9: {  	[smem:$0x3FA8] =	sst s1  }
0xa: {  	[smem:$0x3FA9] =	sst s2  }
0xb: {  	[smem:$0x3FAA] =	sst s3  }
0xc: {  	[smem:$0x3FAB] =	sst s4  }
0xd: {  	[smem:$0x3FAC] =	sst s5  }
0xe: {  	[smem:$0x3FAD] =	sst s6  }
0xf: {  	[smem:$0x3FAE] =	sst s7  }
0x10: {  	[smem:$0x3FAF] =	sst s8  }
0x11: {  	[smem:$0x3FB0] =	sst s9;
	s0 =	simm.s32 @!p0 $0x0  }
0x12: {  	s1 =	sld [smem:$0x3F96];
	s0 =	simm.s32 @p0 $0x1  }
0x13: {  	[smem:$0x3FB1] =	sst s0;
	s0 =	simm.s32 @!p1 $0x0  }
0x14: {  	s2 =	sld [smem:$0x3F95];
	s0 =	simm.s32 @p1 $0x1  }
0x15: {  	[smem:$0x3FB2] =	sst s0;
	s0 =	simm.s32 @!p2 $0x0  }
0x16: {  	s3 =	sld [smem:$0x3FDB];
	s0 =	simm.s32 @p2 $0x1  }
0x17: {  	s4 =	simm.s32 $0x1BF5;
	[smem:$0x3FB4] =	sst s0  }
0x18: {  	s0 =	sld [smem:$0x3F97];
	_ =	swait.ge [sflag:s4], $0x0  }
0x19: {  	s7 =	sld [smem:$0x3F98]  }
0x1a: {  	s8 =	sadd.s32 $0xFFFFE003, lr  }
0x1b: {  	s9 =	sadd.s32 $0xFFFFFEF7, lr;
	s5 =	simm.s32 $0xFFFFFFFF;
	p2 =	slt.u32 s8, $0xFFFFF086  }
0x1c: {  	p1 =	slt.u32 s9, $0xF7A;
	s5 =	simm.s32 @!p2 $0x0  }
0x1d: {  	s5 =	simm.s32 @p1 $0x1;
	p0 =	seq.s32 s7, s2  }
0x1e: {  	s7 =	smul.u32 @!p0 $0xF7A, s2;
	p2 =	seq.s32 @!p0 s5, $0x0  }
0x1f: {  	s9 =	smul.u32 $0xF7A, s1;
	s8 =	simm.s32 @!p0 $0x1BF5;
	p2 =	por !p2, p0  }
0x20: {  	[sflag:s8] =	ssyncset.s32 @!p0 $0xFFFFF086;
	s6 =	sadd.s32 @!p0 s3, s7;
	s7 =	simm.s32 @!p0 $0x108  }
0x21: {  	s3 =	sadd.s32 s3, s9;
	s6 =	sadd.s32 @!p0 $0x88, s6;
	s7 =	simm.s32 @p2 $0x1082  }
0x22: {  	[simem:s7], [sflag:s8] =	dma.local @!p0 [hbm:s6], $0xF7A  }
0x23: {  	s9 =	sor.u32 $0xD0000000, s2;
	s6 =	simm.s32 $0x108;
	_ =	swait.ge @!p0 [sflag:s8], $0x0  }
0x24: {  	s3 =	sadd.s32 $0x88, s3;
	s6 =	simm.s32 @!p1 $0x1082;
	[sflag:s4] =	ssyncset.s32 $0xFFFFF086  }
0x25: {  	[simem:s6], [sflag:s4] =	dma.local [hbm:s3], $0xF7A  }
0x26: {  	[smem:$0x3F98] =	sst s1;
	(tag) =	ssettag s2;
	_ =	strace s9  }
0x27: {  	s1 =	sld [smem:$0x3FA8]  }
0x28: {  	s2 =	sld [smem:$0x3FA9]  }
0x29: {  	s4 =	sld [smem:$0x3FAB]  }
0x2a: {  	p0 =	seq.s32 s5, $0x0;
	s5 =	sld [smem:$0x3FAC]  }
0x2b: {  	s6 =	sld [smem:$0x3FAD]  }
0x2c: {  	s7 =	sld [smem:$0x3FAE]  }
0x2d: {  	s3 =	simm.s32 $0x108;
	s8 =	sld [smem:$0x3FAF]  }
0x2e: {  	s3 =	simm.s32 @!p0 $0x1082;
	s9 =	sld [smem:$0x3FB0]  }
0x2f: {  	lr =	sadd.s32 s0, s3;
	s0 =	sld [smem:$0x3FA7]  }
0x30: {  	s3 =	sld [smem:$0x3FAA]  }
0x31: {  	[smem:$0x3FB3] =	sst s10  }
0x32: {  	s10 =	sld [smem:$0x3FB1];
	_ =	sdelay $0x3  }
0x33: {  	p0 =	seq.s32 s10, $0x1;
	s10 =	sld [smem:$0x3FB3];
	_ =	sdelay $0x3  }
0x34: {  	[smem:$0x3FB3] =	sst s10  }
0x35: {  	s10 =	sld [smem:$0x3FB2];
	_ =	sdelay $0x3  }
0x36: {  	p1 =	seq.s32 s10, $0x1;
	s10 =	sld [smem:$0x3FB3];
	_ =	sdelay $0x3  }
0x37: {  	[smem:$0x3FB3] =	sst s10  }
0x38: {  	s10 =	sld [smem:$0x3FB4]  }
0x39: {  	_ = 	snop;
	(pc) =	sbr.ind lr, $3  }
0x3a: {  	_ = 	snop  }
0x3b: {  	_ = 	snop  }
0x3c: {  	p2 =	seq.s32 s10, $0x1;
	s10 =	sld [smem:$0x3FB3]  }
0x3d: {  	_ =	shalt  }
0x3e: {  	_ =	shalt  }
0x3f: {  	_ =	shalt  }
0x40: {  	_ =	shalt  }
0x41: {  	_ =	shalt  }
0x42: {  	_ =	shalt  }
0x43: {  	_ =	shalt  }
0x44: {  	_ =	shalt  }
0x45: {  	_ =	shalt  }
0x46: {  	_ =	shalt  }
0x47: {  	_ =	shalt  }
0x48: {  	_ =	shalt  }
0x49: {  	_ =	shalt  }
0x4a: {  	_ =	shalt  }
0x4b: {  	_ =	shalt  }
0x4c: {  	_ =	shalt  }
0x4d: {  	_ =	shalt  }
0x4e: {  	_ =	shalt  }
0x4f: {  	_ =	shalt  }
0x50: {  	_ =	shalt  }
0x51: {  	_ =	shalt  }
0x52: {  	_ =	shalt  }
0x53: {  	_ =	shalt  }
0x54: {  	_ =	shalt  }
0x55: {  	_ =	shalt  }
0x56: {  	_ =	shalt  }
0x57: {  	_ =	shalt  }
0x58: {  	_ =	shalt  }
0x59: {  	_ =	shalt  }
0x5a: {  	_ =	shalt  }
0x5b: {  	_ =	shalt  }
0x5c: {  	_ =	shalt  }
0x5d: {  	_ =	shalt  }
0x5e: {  	_ =	shalt  }
0x5f: {  	_ =	shalt  }
0x60: {  	_ =	shalt  }
0x61: {  	_ =	shalt  }
0x62: {  	_ =	shalt  }
0x63: {  	_ =	shalt  }
0x64: {  	_ =	shalt  }
0x65: {  	_ =	shalt  }
0x66: {  	_ =	shalt  }
0x67: {  	_ =	shalt  }
0x68: {  	_ =	shalt  }
0x69: {  	_ =	shalt  }
0x6a: {  	_ =	shalt  }
0x6b: {  	_ =	shalt  }
0x6c: {  	_ =	shalt  }
0x6d: {  	_ =	shalt  }
0x6e: {  	_ =	shalt  }
0x6f: {  	_ =	shalt  }
0x70: {  	_ =	shalt  }
0x71: {  	_ =	shalt  }
0x72: {  	_ =	shalt  }
0x73: {  	_ =	shalt  }
0x74: {  	_ =	shalt  }
0x75: {  	_ =	shalt  }
0x76: {  	_ =	shalt  }
0x77: {  	_ =	shalt  }
0x78: {  	_ =	shalt  }
0x79: {  	_ =	shalt  }
0x7a: {  	_ =	shalt  }
0x7b: {  	_ =	shalt  }
0x7c: {  	_ =	shalt  }
0x7d: {  	_ =	shalt  }
0x7e: {  	_ =	shalt  }
0x7f: {  	_ =	shalt  }
0x80: {  	_ =	shalt  }
0x81: {  	_ =	shalt  }
0x82: {  	_ =	shalt  }
0x83: {  	_ =	shalt  }
0x84: {  	_ =	shalt  }
0x85: {  	_ =	shalt  }
0x86: {  	_ =	shalt  }
0x87: {  	_ =	shalt  }
.Lfunc_end0:
.L_simem_size_0:
called_computation.3_lowered:
.L_overlay_start_0:
0x88: {  	s2 =	sld [smem:$0x3FD9]  }
0x89: {  	s3 =	sld [smem:$0x3FFE];
	_ =	sdelay $0x1  }
0x8a: {  	s1 =	srdreg.scid  }
0x8b: {  	s0 =	sand.u32 $0x1, s1  }
0x8c: {  	s17 =	sshll.u32 s0, $0xA;
	s2 =	sadd.s32 s3, s2  }
0x8d: {  	s2 =	sadd.s32 s2, s17  }
0x8e: {  	[smem:$0x3FBF] =	sst s2  }
0x8f: {  	_ = 	snop  }
0x90: {  	s18 =	sld [smem:$0x3FD0];
	(tm) =	ssettm $0x1  }
0x91: {  	s19 =	sld [smem:$0x3FFB];
	_ =	sdelay $0x3  }
0x92: {  	_ =	strace s19  }
0x93: {  	s2 =	sld [smem:$0x3FFC];
	_ =	sdelay $0x3  }
0x94: {  	_ =	strace s2  }
0x95: {  	s2 =	sld [smem:$0x3FFD];
	_ =	sdelay $0x3  }
0x96: {  	_ =	strace s2  }
0x97: {  	_ =	strace $0x8FFFFFFF  }
0x98: {  	s20 =	sld [smem:$0x3FDB];
	_ =	sdelay $0x1  }
0x99: {  	s4 =	simm.s32 $_scs_section_size  }
0x9a: {  	s5 =	simm.s32 $_size__tile_overlayer_lowered;
	s6 =	simm.s32 $_tile_overlayer_lowered  }
0x9b: {  	s7 =	simm.s32 $0x1BFF;
	s21 =	sshll.u32 s6, $0x1;
	s4 =	sadd.s32 s4, s20  }
0x9c: {  	s22 =	simm.s32 $0x0;
	s5 =	sshll.u32 s5, $0x1;
	s6 =	sadd.s32 s21, s4  }
0x9d: {  	[timem:s22], [sflag:s7] =	dma.local [hbm:s6], s5  }
0x9e: {  	_ =	swait.ge [sflag:s7], s5  }
0x9f: {  	s5 =	ssub.s32 $0x0, s5;
	[sflag:s7] =	ssyncset.done $0x0  }
0xa0: {  	[sflag:s7] =	ssyncadd.s32 s5;
	_ =	sdelay $0x1  }
0xa1: {  	s23 =	simm.s32 $0x1B8B  }
0xa2: {  	_ =	swait.ge [sflag:s23], $0x1  }
0xa3: {  	[sflag:s23] =	ssyncset.done $0x0  }
0xa4: {  	[sflag:s23] =	ssyncadd.s32 $0xFFFFFFFF  }
0xa5: {  	s5 =	sld [smem:$0x0]  }
0xa6: {  	s6 =	sand.u32 $0xFFFFFFFE, s1  }
0xa7: {  	p0 =	sne.s32 s1, s6  }
0xa8: {  	s6 =	sshll.u32 @p0 s6, $0xE  }
0xa9: {  	s6 =	sadd.s32 @p0 $0x11B8D, s6;
	s7 =	sshll.u32 @p0 s5, $0x11  }
0xaa: {  	s6 =	sor.u32 @p0 s7, s6  }
0xab: {  	[sflag:s6] =	ssyncadd.remote.s32 @p0 $0x1;
	_ =	sdelay $0x1  }
0xac: {  	s6 =	simm.s32 @p0 $0x1B8D  }
0xad: {  	_ =	swait.eq @p0 [sflag:s6], $0x1  }
0xae: {  	[sflag:s6] =	ssyncadd.s32 @p0 $0xFFFFFFFF  }
0xaf: {  	s7 =	sshll.u32 @!p0 s1, $0xE  }
0xb0: {  	s7 =	sor.u32 @!p0 $0x4000, s7;
	s6 =	simm.s32 @!p0 $0x1B8D  }
0xb1: {  	s5 =	sshll.u32 @!p0 s5, $0x11;
	s7 =	sadd.s32 @!p0 $0x11B8D, s7;
	_ =	swait.eq @!p0 [sflag:s6], $0x1  }
0xb2: {  	s5 =	sor.u32 @!p0 s5, s7;
	[sflag:s6] =	ssyncadd.s32 @!p0 $0xFFFFFFFF  }
0xb3: {  	s25 =	simm.s32 $0x1B8E;
	s24 =	sld [smem:$0x3FFE];
	[sflag:s5] =	ssyncadd.remote.s32 @!p0 $0x1  }
0xb4: {  	s26 =	simm.s32 $execute0_lowered;
	[smem:$0x3FD2] =	sst s25  }
0xb5: {  	s6 =	sshll.u32 s26, $0x1;
	_ =	strace $0x8000004C;
	[dreg:$0x1] =	wrdreg $0xFFFFFFFF  }
0xb6: {  	s28 =	simm.s32 $_size_execute0_lowered;
	s4 =	sadd.s32 s4, s6;
	[dreg:$0x0] =	wrdreg $0x0  }
0xb7: {  	s6 =	sshll.u32 s28, $0x1;
	[dreg:$0x2] =	wrdreg s4  }
0xb8: {  	[dreg:$0x3] =	wrdreg s6  }
0xb9: {  	[dreg:$0x4] =	wrdreg $0xC0  }
0xba: {  	_ =	task [dreg:s22], $0x5FFFF  }
0xbb: {  	[dreg:$0x1] =	wrdreg $0xFFFFFFFF  }
0xbc: {  	[dreg:$0x0] =	wrdreg $0x60  }
0xbd: {  	[dreg:$0x2] =	wrdreg s24  }
0xbe: {  	[dreg:$0x3] =	wrdreg s18  }
0xbf: {  	[dreg:$0x4] =	wrdreg $0x81000  }
0xc0: {  	[dreg:$0x5] =	wrdreg $0xA  }
0xc1: {  	_ =	task.clear_ibuf [dreg:s22], $0x6FFFF;
	_ =	strace $0x9000004C  }
0xc2: {  	s29 =	simm.s32 $0xA;
	_ =	strace $0x8000004E  }
0xc3: {  	_ =	swait.ge [sflag:s29], $0x1  }
0xc4: {  	[sflag:s29] =	ssyncadd.s32 $0xFFFFFFFF  }
0xc5: {  	_ =	strace $0x9000004E  }
0xc6: {  	_ =	sfence  }
0xc7: {  	s30 =	sld [smem:$0x0];
	_ =	sdelay $0x2  }
0xc8: {  	s31 =	sshll.u32 s1, $0xD;
	s1 =	sshrl.u32 s1, $0x2  }
0xc9: {  	s4 =	sand.u32 $0x4000, s31;
	s1 =	sadd.s32 s1, s30  }
0xca: {  	s0 =	sor.u32 s4, s0;
	s1 =	sshll.u32 s1, $0x11  }
0xcb: {  	s0 =	sor.u32 s1, s0  }
0xcc: {  	s0 =	sadd.s32 $0x8F2B, s0  }
0xcd: {  	[sflag:s0] =	ssyncadd.remote.s32 $0x1  }
0xce: {  	_ =	sfence.sel $0xFFFF  }
0xcf: {  	[dreg:$0x0] =	wrdreg $0xFFFFFFFF;
	(pc) =	sbr.abs _section_cstart, $3  }
0xd0: {  	[dreg:$0x1] =	wrdreg $0xFFFFFFFF  }
0xd1: {  	_ =	task.clear_ibuf [dreg:s22], $0x2FFFF;
	_ =	strace $0x9FFFFFFF  }
0xd2: {  	(tm) =	ssettm $0x7FFFFFFF  }
0xd3: {  	_ =	shalt  }
tec
execute0_lowered:
.L_overlay_start_1:
0x0: {  	(tag) =	ssettag $0x1  }
0x1: {  	s5 =	rddreg [dreg:$0x0]  }
0x2: {  	s0 =	rddreg [dreg:$0x1];
	s1 =	srdreg.scid  }
0x3: {  	s2 =	rddreg [dreg:$0x2];
	s3 =	stileid.u32;
	s4 =	simm.s32 $0x0  }
0x4: {  	s16 =	simm.s32 $0x80;
	s17 =	simm.s32 $0x4100;
	s18 =	simm.s32 $0x4  }
0x5: {  	s19 =	simm.s32 $0x2;
	s8 =	sand.u32 $0x1, s1;
	s1 =	rddreg [dreg:$0x3]  }
0x6: {  	s20 =	simm.s32 $0x3;
	s6 =	smul.u32 $0x1F400, s3;
	[smem:$0x7FF] =	sst s4  }
0x7: {  	s12 =	sadd.s32 $0x1625000, s5;
	s13 =	sadd.s32 $0x1191200, s5;
	s14 =	smul.u32 $0x7D000, s3  }
0x8: {  	s30 =	sshll.u32 s3, $0x4;
	s31 =	sshll.u32 s3, $0xB;
	s11 =	smul.u32 $0x138800, s8  }
0x9: {  	p0 =	sne.s32 s3, $0x0;
	p1 =	sgt.u32 s3, $0x9;
	s7 =	smul.u32 $0x271, s8  }
0xa: {  	_ =	strace $0x8000004D;
	s22 =	ssub.s32 $0x2, s8;
	s28 =	smul.u32 $0x2710, s8  }
0xb: {  	s23 =	sshrl.u32 s22, $0x1;
	s25 =	sshrl.u32 s14, $0x2;
	s14 =	simm.s32 $0x100  }
0xc: {  	s6 =	sadd.s32 s6, s11;
	s10 =	sadd.s32 s3, s7;
	s15 =	ssub.s32 s22, s23  }
0xd: {  	s21 =	sadd.s32 s25, s2;
	s22 =	simm.s32 $0x0;
	s6 =	sshrl.u32 s6, $0x3  }
0xe: {  	s7 =	sshll.u32 s10, $0x4;
	s24 =	sshll.u32 s10, $0xB;
	s26 =	sadd.s32 $0x270, s10  }
0xf: {  	s8 =	smax.u32 s15, $0x1;
	s15 =	simm.s32 $0x1;
	s9 =	sadd.s32 s6, s5  }
.Ltmp0:
0x10: {  	s5 =	sadd.s32 s13, s7;
	s6 =	sadd.s32 s12, s24;
	(pc) =	sbr.rel .LBB2_1-.Ltmp0, $4  }
0x11: {  	s10 =	sshll.u32 s26, $0x4;
	s29 =	sshll.u32 s26, $0xB;
	s7 =	sadd.s32 $0xF20200, s9  }
0x12: {  	s9 =	sadd.s32 s13, s10;
	s10 =	sadd.s32 s12, s29;
	s12 =	sadd.s32 s11, s12  }
0x13: {  	s21 =	sshrl.u32 s21, $0x3;
	s13 =	sadd.s32 s28, s13;
	s12 =	sadd.s32 s31, s12  }
0x14: {  	s11 =	sadd.s32 s30, s13;
	s13 =	sshrl.u32 @!p0 s2, $0x3;
	s12 =	sadd.s32 $0x10000, s12  }
.LBB2_4:
0x15: {  	[tilespmem:s16], [sflag:$0x2] =	stream.linear.gather [hbm4b:s9+s4], $0x80, $0x38;
	[tilespmem:$0x1B980] =	vst v63  }
0x16: {  	_ = 	snop  }
0x17: {  	[tilespmem:s17], [sflag:$0x2] =	stream.linear.gather [hbm4b:s10+s4], $0x4000, $0x38;
	[tilespmem:$0x1B980] =	vst v63  }
0x18: {  	_ = 	snop  }
0x19: {  	[spmem:s2] =	stream.indirect.scatter.add.f32 [tilespmem:s14], [sflag:$0x4], $0x80, s4, s16, $0xb8;
	[tilespmem:$0x1B980] =	vst v63  }
0x1a: {  	_ =	swait.ge [sflag:s18], $0x4000  }
0x1b: {  	[sflag:s18] =	ssyncset.done $0x0  }
0x1c: {  	[sflag:s18] =	ssyncadd.s32 $0xFFFFC000  }
0x1d: {  	_ =	swait.ge [sflag:s19], $0x80  }
0x1e: {  	[sflag:s19] =	ssyncset.done $0x0  }
0x1f: {  	[sflag:s19] =	ssyncadd.s32 $0xFFFFFF80  }
0x20: {  	_ =	swait.ge [sflag:s19], $0x4000  }
0x21: {  	[sflag:s19] =	ssyncset.done $0x0  }
0x22: {  	[sflag:s19] =	ssyncadd.s32 $0xFFFFC000  }
0x23: {  	[spmem:s2] =	stream.indirect.scatter.add.f32 [tilespmem:s17], [sflag:$0x3], $0x80, s16, s16, $0xb8;
	[tilespmem:$0x1B980] =	vst v63  }
0x24: {  	_ =	swait.ge [sflag:s20], $0x4000  }
0x25: {  	[sflag:s20] =	ssyncset.done $0x0  }
0x26: {  	[sflag:s20] =	ssyncadd.s32 $0xFFFFC000  }
0x27: {  	[bflag:$0x0] =	sbarrier.arrive $0xFFFF  }
.LBB2_6:
0x28: {  	s23 =	sshll.u32 s3, $0x6  }
0x29: {  	s23 =	sor.u32 $0x1C03, s23  }
0x2a: {  	[hbm:s7], [sflag:s23] =	dma.local [spmem:s21], $0x3E80  }
0x2b: {  	_ =	swait.ge [sflag:s20], $0x3E80  }
0x2c: {  	[sflag:s20] =	ssyncset.done $0x0  }
0x2d: {  	[sflag:s20] =	ssyncadd.s32 $0xFFFFC180  }
.LBB2_7:
0x2e: {  	s22 =	sadd.s32 $0x1, s22  }
0x2f: {  	p2 =	sne.s32 s22, s8  }
.Ltmp1:
0x30: {  	_ = 	snop;
	(pc) =	sbr.rel @!p2 .LBB2_8-.Ltmp1, $1  }
0x31: {  	_ =	sdelay $0x3  }
.LBB2_1:
0x32: {  	s23 =	simm.s32 @!p0 $0x1C03  }
0x33: {  	[spmem:s13], [sflag:s23] =	dma.local @!p0 [hbm:s0], $0x27100  }
0x34: {  	s23 =	simm.s32 @!p0 $0x3  }
0x35: {  	_ =	swait.ge @!p0 [sflag:s23], $0x27100  }
0x36: {  	[sflag:s23] =	ssyncset.done @!p0 $0x0  }
0x37: {  	[sflag:s23] =	ssyncadd.s32 @!p0 $0xFFFD8F00  }
0x38: {  	[bflag:$0x0] =	sbarrier.arrive $0xFFFF  }
0x39: {  	[tilespmem:s4], [sflag:$0x1] =	stream.linear.gather [hbm4b:s5+s4], $0x80, $0x38;
	[tilespmem:$0x1B980] =	vst v63  }
0x3a: {  	_ = 	snop  }
0x3b: {  	[tilespmem:s14], [sflag:$0x1] =	stream.linear.gather [hbm4b:s6+s4], $0x4000, $0x38;
	[tilespmem:$0x1B980] =	vst v63  }
0x3c: {  	_ =	swait.ge [sflag:s15], $0x80  }
0x3d: {  	[sflag:s15] =	ssyncset.done $0x0  }
0x3e: {  	[sflag:s15] =	ssyncadd.s32 $0xFFFFFF80  }
0x3f: {  	_ =	swait.ge [sflag:s15], $0x4000  }
0x40: {  	s30 =	sadd.s32 $0x0, s11;
	[sflag:s15] =	ssyncset.done $0x0  }
0x41: {  	s24 =	sadd.s32 $0x100, s30;
	[sflag:s15] =	ssyncadd.s32 $0xFFFFC000  }
0x42: {  	[tilespmem:s16], [sflag:$0x2] =	stream.linear.gather [hbm4b:s24+s4], $0x80, $0x38;
	[tilespmem:$0x1B980] =	vst v63  }
0x43: {  	s31 =	sadd.s32 $0xFFFF8000, s12  }
0x44: {  	[tilespmem:s17], [sflag:$0x2] =	stream.linear.gather [hbm4b:s31+s4], $0x4000, $0x38;
	[tilespmem:$0x1B980] =	vst v63  }
0x45: {  	_ = 	snop  }
0x46: {  	[spmem:s2] =	stream.indirect.scatter.add.f32 [tilespmem:s14], [sflag:$0x4], $0x80, s4, s16, $0xb8;
	[tilespmem:$0x1B980] =	vst v63  }
0x47: {  	_ =	swait.ge [sflag:s18], $0x4000  }
0x48: {  	[sflag:s18] =	ssyncset.done $0x0  }
0x49: {  	[sflag:s18] =	ssyncadd.s32 $0xFFFFC000  }
0x4a: {  	_ =	swait.ge [sflag:s19], $0x80  }
0x4b: {  	[sflag:s19] =	ssyncset.done $0x0  }
0x4c: {  	[sflag:s19] =	ssyncadd.s32 $0xFFFFFF80  }
0x4d: {  	_ =	swait.ge [sflag:s19], $0x4000  }
0x4e: {  	[sflag:s19] =	ssyncset.done $0x0  }
0x4f: {  	s23 =	sadd.s32 $0x200, s30;
	[sflag:s19] =	ssyncadd.s32 $0xFFFFC000  }
0x50: {  	[tilespmem:s4], [sflag:$0x1] =	stream.linear.gather [hbm4b:s23+s4], $0x80, $0x38;
	[tilespmem:$0x1B980] =	vst v63  }
0x51: {  	_ = 	snop  }
0x52: {  	[tilespmem:s14], [sflag:$0x1] =	stream.linear.gather [hbm4b:s12+s4], $0x4000, $0x38;
	[tilespmem:$0x1B980] =	vst v63  }
0x53: {  	_ = 	snop  }
0x54: {  	[spmem:s2] =	stream.indirect.scatter.add.f32 [tilespmem:s17], [sflag:$0x3], $0x80, s16, s16, $0xb8;
	[tilespmem:$0x1B980] =	vst v63  }
0x55: {  	_ =	swait.ge [sflag:s20], $0x4000  }
0x56: {  	s24 =	smov.u32 s12;
	s23 =	simm.s32 $0x200;
	[sflag:s20] =	ssyncset.done $0x0  }
.LBB2_2:
0x57: {  	p2 =	sne.s32 s23, $0x2400;
	[sflag:s20] =	ssyncadd.s32 $0xFFFFC000;
	s24 =	sadd.s32 $0x10000, s24  }
0x58: {  	s25 =	smov.u32 s23;
	s23 =	sadd.s32 $0x200, s23  }
0x59: {  	_ =	swait.ge [sflag:s15], $0x80  }
0x5a: {  	[sflag:s15] =	ssyncset.done $0x0  }
0x5b: {  	[sflag:s15] =	ssyncadd.s32 $0xFFFFFF80  }
0x5c: {  	_ =	swait.ge [sflag:s15], $0x4000  }
0x5d: {  	s25 =	sadd.s32 s25, s11;
	[sflag:s15] =	ssyncset.done $0x0  }
0x5e: {  	s26 =	sadd.s32 $0x100, s25;
	[sflag:s15] =	ssyncadd.s32 $0xFFFFC000  }
0x5f: {  	[tilespmem:s16], [sflag:$0x2] =	stream.linear.gather [hbm4b:s26+s4], $0x80, $0x38;
	[tilespmem:$0x1B980] =	vst v63  }
0x60: {  	s26 =	sadd.s32 $0xFFFF8000, s24  }
0x61: {  	[tilespmem:s17], [sflag:$0x2] =	stream.linear.gather [hbm4b:s26+s4], $0x4000, $0x38;
	[tilespmem:$0x1B980] =	vst v63  }
0x62: {  	_ = 	snop  }
0x63: {  	[spmem:s2] =	stream.indirect.scatter.add.f32 [tilespmem:s14], [sflag:$0x4], $0x80, s4, s16, $0xb8;
	[tilespmem:$0x1B980] =	vst v63  }
0x64: {  	_ =	swait.ge [sflag:s18], $0x4000  }
0x65: {  	[sflag:s18] =	ssyncset.done $0x0  }
0x66: {  	[sflag:s18] =	ssyncadd.s32 $0xFFFFC000  }
0x67: {  	_ =	swait.ge [sflag:s19], $0x80  }
0x68: {  	[sflag:s19] =	ssyncset.done $0x0  }
0x69: {  	[sflag:s19] =	ssyncadd.s32 $0xFFFFFF80  }
0x6a: {  	_ =	swait.ge [sflag:s19], $0x4000  }
0x6b: {  	[sflag:s19] =	ssyncset.done $0x0  }
0x6c: {  	s25 =	sadd.s32 $0x200, s25;
	[sflag:s19] =	ssyncadd.s32 $0xFFFFC000  }
0x6d: {  	[tilespmem:s4], [sflag:$0x1] =	stream.linear.gather [hbm4b:s25+s4], $0x80, $0x38;
	[tilespmem:$0x1B980] =	vst v63  }
0x6e: {  	_ = 	snop  }
0x6f: {  	[tilespmem:s14], [sflag:$0x1] =	stream.linear.gather [hbm4b:s24+s4], $0x4000, $0x38;
	[tilespmem:$0x1B980] =	vst v63  }
.Ltmp2:
0x70: {  	_ = 	snop;
	(pc) =	sbr.rel @p2 .LBB2_2-.Ltmp2, $4  }
0x71: {  	_ = 	snop  }
0x72: {  	[spmem:s2] =	stream.indirect.scatter.add.f32 [tilespmem:s17], [sflag:$0x3], $0x80, s16, s16, $0xb8;
	[tilespmem:$0x1B980] =	vst v63  }
0x73: {  	_ =	swait.ge [sflag:s20], $0x4000  }
0x74: {  	[sflag:s20] =	ssyncset.done $0x0  }
0x75: {  	[sflag:s20] =	ssyncadd.s32 $0xFFFFC000  }
0x76: {  	_ =	swait.ge [sflag:s15], $0x80  }
.Ltmp3:
0x77: {  	[sflag:s15] =	ssyncset.done $0x0;
	(pc) =	sbr.rel @!p0 .LBB2_4-.Ltmp3, $4  }
0x78: {  	[sflag:s15] =	ssyncadd.s32 $0xFFFFFF80  }
0x79: {  	_ =	swait.ge [sflag:s15], $0x4000  }
0x7a: {  	[sflag:s15] =	ssyncset.done $0x0  }
0x7b: {  	[sflag:s15] =	ssyncadd.s32 $0xFFFFC000  }
0x7c: {  	[spmem:s2] =	stream.indirect.scatter.add.f32 [tilespmem:s14], [sflag:$0x4], $0x80, s4, s16, $0xb8;
	[tilespmem:$0x1B980] =	vst v63  }
.Ltmp4:
0x7d: {  	_ =	swait.ge [sflag:s18], $0x4000;
	(pc) =	sbr.rel @p1 .LBB2_7-.Ltmp4, $4  }
.Ltmp5:
0x7e: {  	[sflag:s18] =	ssyncset.done $0x0;
	(pc) =	sbr.rel @!p1 .LBB2_6-.Ltmp5, $4  }
0x7f: {  	[sflag:s18] =	ssyncadd.s32 $0xFFFFC000  }
0x80: {  	[bflag:$0x0] =	sbarrier.arrive $0xFFFF  }
0x81: {  	_ = 	snop  }
0x82: {  	_ = 	snop  }
.LBB2_8:
0x83: {  	_ =	sfence.sel $0x180000  }
0x84: {  	[bflag:$0x0] =	sbarrier.arrive $0xFFFF  }
0x85: {  	_ =	strace $0x9000004D  }
0x86: {  	s0 =	sadd.s32 @!p0 $0x100000, s1;
	[bflag:$0x2] =	sbarrier.arrive $0xFFFF  }
0x87: {  	[sflag:s0] =	ssyncadd.tile.s32 @!p0 $0x1;
	_ =	shalt  }
.Lfunc_end2:
_tile_overlayer_lowered:
.L_overlay_start_2:
0x88: {  	(tag) =	ssettag $0x2  }
0x89: {  	s0 =	rddreg [dreg:$0x0];
	s2 =	stileid.u32  }
0x8a: {  	s1 =	rddreg [dreg:$0x1];
	p0 =	sne.s32 s2, $0x0  }
0x8b: {  	s3 =	rddreg [dreg:$0x2];
	[bflag:$0x3] =	sbarrier.arrive $0xFFFF;
	s2 =	simm.s32 @!p0 $0x1C03  }
0x8c: {  	[timem:s3], [sflag:s2] =	dma.local @!p0 [hbm:s0], s1  }
0x8d: {  	s0 =	simm.s32 @!p0 $0x3  }
0x8e: {  	_ =	swait.ge @!p0 [sflag:s0], s1  }
0x8f: {  	s1 =	ssub.s32 @!p0 $0x0, s1;
	[sflag:s0] =	ssyncset.done @!p0 $0x0  }
0x90: {  	[sflag:s0] =	ssyncadd.s32 @!p0 s1  }
0x91: {  	[bflag:$0x3] =	sbarrier.arrive $0xFFFF  }
0x92: {  	_ =	shalt  }

// kernel: kernel.9.cloned.1.call-start
scs
__scs_entry_jumppad:
0x0: {  	(pc) =	sbr.rel $0x88, $3  }
0x1: {  	(tag) =	ssettag $0x0;
	lr =	simm.s32 $0x1  }
0x2: {  	[smem:$0x3F98] =	sst lr;
	_ =	strace $0xD0000000  }
0x3: {  	_ = 	snop  }
0x4: {  	_ = 	snop  }
0x5: {  	_ = 	snop  }
0x6: {  	_ = 	snop  }
0x7: {  	_ = 	snop  }
__scs_overlays_trampoline_lowered:
0x8: {  	[smem:$0x3FA7] =	sst s0  }
0x9: {  	[smem:$0x3FA8] =	sst s1  }
0xa: {  	[smem:$0x3FA9] =	sst s2  }
0xb: {  	[smem:$0x3FAA] =	sst s3  }
0xc: {  	[smem:$0x3FAB] =	sst s4  }
0xd: {  	[smem:$0x3FAC] =	sst s5  }
0xe: {  	[smem:$0x3FAD] =	sst s6  }
0xf: {  	[smem:$0x3FAE] =	sst s7  }
0x10: {  	[smem:$0x3FAF] =	sst s8  }
0x11: {  	[smem:$0x3FB0] =	sst s9;
	s0 =	simm.s32 @!p0 $0x0  }
0x12: {  	s1 =	sld [smem:$0x3F96];
	s0 =	simm.s32 @p0 $0x1  }
0x13: {  	[smem:$0x3FB1] =	sst s0;
	s0 =	simm.s32 @!p1 $0x0  }
0x14: {  	s2 =	sld [smem:$0x3F95];
	s0 =	simm.s32 @p1 $0x1  }
0x15: {  	[smem:$0x3FB2] =	sst s0;
	s0 =	simm.s32 @!p2 $0x0  }
0x16: {  	s3 =	sld [smem:$0x3FDB];
	s0 =	simm.s32 @p2 $0x1  }
0x17: {  	s4 =	simm.s32 $0x1BF5;
	[smem:$0x3FB4] =	sst s0  }
0x18: {  	s0 =	sld [smem:$0x3F97];
	_ =	swait.ge [sflag:s4], $0x0  }
0x19: {  	s7 =	sld [smem:$0x3F98]  }
0x1a: {  	s8 =	sadd.s32 $0xFFFFE003, lr  }
0x1b: {  	s9 =	sadd.s32 $0xFFFFFEF7, lr;
	s5 =	simm.s32 $0xFFFFFFFF;
	p2 =	slt.u32 s8, $0xFFFFF086  }
0x1c: {  	p1 =	slt.u32 s9, $0xF7A;
	s5 =	simm.s32 @!p2 $0x0  }
0x1d: {  	s5 =	simm.s32 @p1 $0x1;
	p0 =	seq.s32 s7, s2  }
0x1e: {  	s7 =	smul.u32 @!p0 $0xF7A, s2;
	p2 =	seq.s32 @!p0 s5, $0x0  }
0x1f: {  	s9 =	smul.u32 $0xF7A, s1;
	s8 =	simm.s32 @!p0 $0x1BF5;
	p2 =	por !p2, p0  }
0x20: {  	[sflag:s8] =	ssyncset.s32 @!p0 $0xFFFFF086;
	s6 =	sadd.s32 @!p0 s3, s7;
	s7 =	simm.s32 @!p0 $0x108  }
0x21: {  	s3 =	sadd.s32 s3, s9;
	s6 =	sadd.s32 @!p0 $0x88, s6;
	s7 =	simm.s32 @p2 $0x1082  }
0x22: {  	[simem:s7], [sflag:s8] =	dma.local @!p0 [hbm:s6], $0xF7A  }
0x23: {  	s9 =	sor.u32 $0xD0000000, s2;
	s6 =	simm.s32 $0x108;
	_ =	swait.ge @!p0 [sflag:s8], $0x0  }
0x24: {  	s3 =	sadd.s32 $0x88, s3;
	s6 =	simm.s32 @!p1 $0x1082;
	[sflag:s4] =	ssyncset.s32 $0xFFFFF086  }
0x25: {  	[simem:s6], [sflag:s4] =	dma.local [hbm:s3], $0xF7A  }
0x26: {  	[smem:$0x3F98] =	sst s1;
	(tag) =	ssettag s2;
	_ =	strace s9  }
0x27: {  	s1 =	sld [smem:$0x3FA8]  }
0x28: {  	s2 =	sld [smem:$0x3FA9]  }
0x29: {  	s4 =	sld [smem:$0x3FAB]  }
0x2a: {  	p0 =	seq.s32 s5, $0x0;
	s5 =	sld [smem:$0x3FAC]  }
0x2b: {  	s6 =	sld [smem:$0x3FAD]  }
0x2c: {  	s7 =	sld [smem:$0x3FAE]  }
0x2d: {  	s3 =	simm.s32 $0x108;
	s8 =	sld [smem:$0x3FAF]  }
0x2e: {  	s3 =	simm.s32 @!p0 $0x1082;
	s9 =	sld [smem:$0x3FB0]  }
0x2f: {  	lr =	sadd.s32 s0, s3;
	s0 =	sld [smem:$0x3FA7]  }
0x30: {  	s3 =	sld [smem:$0x3FAA]  }
0x31: {  	[smem:$0x3FB3] =	sst s10  }
0x32: {  	s10 =	sld [smem:$0x3FB1];
	_ =	sdelay $0x3  }
0x33: {  	p0 =	seq.s32 s10, $0x1;
	s10 =	sld [smem:$0x3FB3];
	_ =	sdelay $0x3  }
0x34: {  	[smem:$0x3FB3] =	sst s10  }
0x35: {  	s10 =	sld [smem:$0x3FB2];
	_ =	sdelay $0x3  }
0x36: {  	p1 =	seq.s32 s10, $0x1;
	s10 =	sld [smem:$0x3FB3];
	_ =	sdelay $0x3  }
0x37: {  	[smem:$0x3FB3] =	sst s10  }
0x38: {  	s10 =	sld [smem:$0x3FB4]  }
0x39: {  	_ = 	snop;
	(pc) =	sbr.ind lr, $3  }
0x3a: {  	_ = 	snop  }
0x3b: {  	_ = 	snop  }
0x3c: {  	p2 =	seq.s32 s10, $0x1;
	s10 =	sld [smem:$0x3FB3]  }
0x3d: {  	_ =	shalt  }
0x3e: {  	_ =	shalt  }
0x3f: {  	_ =	shalt  }
0x40: {  	_ =	shalt  }
0x41: {  	_ =	shalt  }
0x42: {  	_ =	shalt  }
0x43: {  	_ =	shalt  }
0x44: {  	_ =	shalt  }
0x45: {  	_ =	shalt  }
0x46: {  	_ =	shalt  }
0x47: {  	_ =	shalt  }
0x48: {  	_ =	shalt  }
0x49: {  	_ =	shalt  }
0x4a: {  	_ =	shalt  }
0x4b: {  	_ =	shalt  }
0x4c: {  	_ =	shalt  }
0x4d: {  	_ =	shalt  }
0x4e: {  	_ =	shalt  }
0x4f: {  	_ =	shalt  }
0x50: {  	_ =	shalt  }
0x51: {  	_ =	shalt  }
0x52: {  	_ =	shalt  }
0x53: {  	_ =	shalt  }
0x54: {  	_ =	shalt  }
0x55: {  	_ =	shalt  }
0x56: {  	_ =	shalt  }
0x57: {  	_ =	shalt  }
0x58: {  	_ =	shalt  }
0x59: {  	_ =	shalt  }
0x5a: {  	_ =	shalt  }
0x5b: {  	_ =	shalt  }
0x5c: {  	_ =	shalt  }
0x5d: {  	_ =	shalt  }
0x5e: {  	_ =	shalt  }
0x5f: {  	_ =	shalt  }
0x60: {  	_ =	shalt  }
0x61: {  	_ =	shalt  }
0x62: {  	_ =	shalt  }
0x63: {  	_ =	shalt  }
0x64: {  	_ =	shalt  }
0x65: {  	_ =	shalt  }
0x66: {  	_ =	shalt  }
0x67: {  	_ =	shalt  }
0x68: {  	_ =	shalt  }
0x69: {  	_ =	shalt  }
0x6a: {  	_ =	shalt  }
0x6b: {  	_ =	shalt  }
0x6c: {  	_ =	shalt  }
0x6d: {  	_ =	shalt  }
0x6e: {  	_ =	shalt  }
0x6f: {  	_ =	shalt  }
0x70: {  	_ =	shalt  }
0x71: {  	_ =	shalt  }
0x72: {  	_ =	shalt  }
0x73: {  	_ =	shalt  }
0x74: {  	_ =	shalt  }
0x75: {  	_ =	shalt  }
0x76: {  	_ =	shalt  }
0x77: {  	_ =	shalt  }
0x78: {  	_ =	shalt  }
0x79: {  	_ =	shalt  }
0x7a: {  	_ =	shalt  }
0x7b: {  	_ =	shalt  }
0x7c: {  	_ =	shalt  }
0x7d: {  	_ =	shalt  }
0x7e: {  	_ =	shalt  }
0x7f: {  	_ =	shalt  }
0x80: {  	_ =	shalt  }
0x81: {  	_ =	shalt  }
0x82: {  	_ =	shalt  }
0x83: {  	_ =	shalt  }
0x84: {  	_ =	shalt  }
0x85: {  	_ =	shalt  }
0x86: {  	_ =	shalt  }
0x87: {  	_ =	shalt  }
.Lfunc_end0:
.L_simem_size_0:
called_computation_lowered:
.L_overlay_start_0:
0x88: {  	s2 =	sld [smem:$0x3FD9]  }
0x89: {  	s3 =	sld [smem:$0x3FFE];
	_ =	sdelay $0x1  }
0x8a: {  	s1 =	srdreg.scid  }
0x8b: {  	s0 =	sand.u32 $0x1, s1  }
0x8c: {  	s17 =	sshll.u32 s0, $0xA;
	s2 =	sadd.s32 s3, s2  }
0x8d: {  	s2 =	sadd.s32 s2, s17  }
0x8e: {  	[smem:$0x3FBF] =	sst s2  }
0x8f: {  	_ = 	snop  }
0x90: {  	s18 =	sld [smem:$0x3FC9];
	(tm) =	ssettm $0x1  }
0x91: {  	s19 =	sld [smem:$0x3FFB];
	_ =	sdelay $0x3  }
0x92: {  	_ =	strace s19  }
0x93: {  	s2 =	sld [smem:$0x3FFC];
	_ =	sdelay $0x3  }
0x94: {  	_ =	strace s2  }
0x95: {  	s2 =	sld [smem:$0x3FFD];
	_ =	sdelay $0x3  }
0x96: {  	_ =	strace s2  }
0x97: {  	_ =	strace $0x8FFFFFFF  }
0x98: {  	s20 =	sld [smem:$0x3FDB];
	_ =	sdelay $0x1  }
0x99: {  	s4 =	simm.s32 $_scs_section_size  }
0x9a: {  	s5 =	simm.s32 $_size__tile_overlayer_lowered;
	s6 =	simm.s32 $_tile_overlayer_lowered  }
0x9b: {  	s7 =	simm.s32 $0x1BFF;
	s21 =	sshll.u32 s6, $0x1;
	s4 =	sadd.s32 s4, s20  }
0x9c: {  	s22 =	simm.s32 $0x0;
	s5 =	sshll.u32 s5, $0x1;
	s6 =	sadd.s32 s21, s4  }
0x9d: {  	[timem:s22], [sflag:s7] =	dma.local [hbm:s6], s5  }
0x9e: {  	_ =	swait.ge [sflag:s7], s5  }
0x9f: {  	s5 =	ssub.s32 $0x0, s5;
	[sflag:s7] =	ssyncset.done $0x0  }
0xa0: {  	[sflag:s7] =	ssyncadd.s32 s5;
	_ =	sdelay $0x1  }
0xa1: {  	s23 =	simm.s32 $0x1B8B  }
0xa2: {  	_ =	swait.ge [sflag:s23], $0x1  }
0xa3: {  	[sflag:s23] =	ssyncset.done $0x0  }
0xa4: {  	[sflag:s23] =	ssyncadd.s32 $0xFFFFFFFF  }
0xa5: {  	s5 =	sld [smem:$0x0]  }
0xa6: {  	s6 =	sand.u32 $0xFFFFFFFE, s1  }
0xa7: {  	p0 =	sne.s32 s1, s6  }
0xa8: {  	s6 =	sshll.u32 @p0 s6, $0xE  }
0xa9: {  	s6 =	sadd.s32 @p0 $0x11B8D, s6;
	s7 =	sshll.u32 @p0 s5, $0x11  }
0xaa: {  	s6 =	sor.u32 @p0 s7, s6  }
0xab: {  	[sflag:s6] =	ssyncadd.remote.s32 @p0 $0x1;
	_ =	sdelay $0x1  }
0xac: {  	s6 =	simm.s32 @p0 $0x1B8D  }
0xad: {  	_ =	swait.eq @p0 [sflag:s6], $0x1  }
0xae: {  	[sflag:s6] =	ssyncadd.s32 @p0 $0xFFFFFFFF  }
0xaf: {  	s7 =	sshll.u32 @!p0 s1, $0xE  }
0xb0: {  	s7 =	sor.u32 @!p0 $0x4000, s7;
	s6 =	simm.s32 @!p0 $0x1B8D  }
0xb1: {  	s5 =	sshll.u32 @!p0 s5, $0x11;
	s7 =	sadd.s32 @!p0 $0x11B8D, s7;
	_ =	swait.eq @!p0 [sflag:s6], $0x1  }
0xb2: {  	s5 =	sor.u32 @!p0 s5, s7;
	[sflag:s6] =	ssyncadd.s32 @!p0 $0xFFFFFFFF  }
0xb3: {  	s25 =	simm.s32 $0x1B8E;
	s24 =	sld [smem:$0x3FFE];
	[sflag:s5] =	ssyncadd.remote.s32 @!p0 $0x1  }
0xb4: {  	s26 =	simm.s32 $execute0_lowered;
	[smem:$0x3FD2] =	sst s25  }
0xb5: {  	s6 =	sshll.u32 s26, $0x1;
	_ =	strace $0x80000049;
	[dreg:$0x1] =	wrdreg $0xFFFFFFFF  }
0xb6: {  	s28 =	simm.s32 $_size_execute0_lowered;
	s4 =	sadd.s32 s4, s6;
	[dreg:$0x0] =	wrdreg $0x0  }
0xb7: {  	s6 =	sshll.u32 s28, $0x1;
	[dreg:$0x2] =	wrdreg s4  }
0xb8: {  	[dreg:$0x3] =	wrdreg s6  }
0xb9: {  	[dreg:$0x4] =	wrdreg $0xC0  }
0xba: {  	_ =	task [dreg:s22], $0x5FFFF  }
0xbb: {  	[dreg:$0x1] =	wrdreg $0xFFFFFFFF  }
0xbc: {  	[dreg:$0x0] =	wrdreg $0x60  }
0xbd: {  	[dreg:$0x2] =	wrdreg s18  }
0xbe: {  	[dreg:$0x3] =	wrdreg s24  }
0xbf: {  	[dreg:$0x4] =	wrdreg $0xB3000  }
0xc0: {  	[dreg:$0x5] =	wrdreg $0x9  }
0xc1: {  	_ =	task.clear_ibuf [dreg:s22], $0x6FFFF;
	_ =	strace $0x90000049  }
0xc2: {  	s29 =	simm.s32 $0x9;
	_ =	strace $0x8000004B  }
0xc3: {  	_ =	swait.ge [sflag:s29], $0x1  }
0xc4: {  	[sflag:s29] =	ssyncadd.s32 $0xFFFFFFFF  }
0xc5: {  	_ =	strace $0x9000004B  }
0xc6: {  	_ =	sfence  }
0xc7: {  	s30 =	sld [smem:$0x0];
	_ =	sdelay $0x2  }
0xc8: {  	s31 =	sshll.u32 s1, $0xD;
	s1 =	sshrl.u32 s1, $0x2  }
0xc9: {  	s4 =	sand.u32 $0x4000, s31;
	s1 =	sadd.s32 s1, s30  }
0xca: {  	s0 =	sor.u32 s4, s0;
	s1 =	sshll.u32 s1, $0x11  }
0xcb: {  	s0 =	sor.u32 s1, s0  }
0xcc: {  	s0 =	sadd.s32 $0x8F2B, s0  }
0xcd: {  	[sflag:s0] =	ssyncadd.remote.s32 $0x1  }
0xce: {  	_ =	sfence.sel $0xFFFF  }
0xcf: {  	[dreg:$0x0] =	wrdreg $0xFFFFFFFF;
	(pc) =	sbr.abs _section_cstart, $3  }
0xd0: {  	[dreg:$0x1] =	wrdreg $0xFFFFFFFF  }
0xd1: {  	_ =	task.clear_ibuf [dreg:s22], $0x2FFFF;
	_ =	strace $0x9FFFFFFF  }
0xd2: {  	(tm) =	ssettm $0x7FFFFFFF  }
0xd3: {  	_ =	shalt  }
tec
execute0_lowered:
.L_overlay_start_1:
0x0: {  	(tag) =	ssettag $0x1  }
0x1: {  	s1 =	srdreg.scid;
	s4 =	rddreg [dreg:$0x0]  }
0x2: {  	s0 =	stileid.u32;
	s5 =	rddreg [dreg:$0x1]  }
0x3: {  	s2 =	rddreg [dreg:$0x2];
	s3 =	simm.s32 $0x0;
	s15 =	simm.s32 $0x3B00  }
0x4: {  	s16 =	simm.s32 $0x7700;
	s17 =	simm.s32 $0x1;
	s18 =	simm.s32 $0x2  }
0x5: {  	s19 =	simm.s32 $0x3;
	s20 =	simm.s32 $0x4;
	s21 =	simm.s32 $0x3A20  }
0x6: {  	s22 =	simm.s32 $0x0;
	s8 =	sand.u32 $0x1, s1;
	s9 =	smul.u32 $0x7D000, s0  }
0x7: {  	s24 =	sshll.u32 s0, $0x1;
	s1 =	rddreg [dreg:$0x3];
	s13 =	smul.u32 $0x3E80, s0  }
0x8: {  	[smem:$0x7FF] =	sst s3;
	s10 =	sadd.s32 $0x775200, s5;
	s30 =	smul.u32 $0x75300, s0  }
0x9: {  	p0 =	sgt.u32 s0, $0x9;
	s6 =	sor.u32 s8, s24;
	s31 =	smul.u32 $0x3A980, s8  }
0xa: {  	_ =	strace $0x8000004A;
	s25 =	ssub.s32 $0x2, s8;
	s7 =	smul.u32 $0x3A98, s6  }
0xb: {  	s11 =	smul.u32 $0x1D4C00, s6;
	s12 =	sshrl.u32 s25, $0x1;
	s9 =	sshrl.u32 s9, $0x2  }
0xc: {  	s4 =	sadd.s32 s4, s13;
	s29 =	smul.u32 $0x3A980, s6;
	s13 =	simm.s32 $0x5  }
0xd: {  	s12 =	ssub.s32 s25, s12;
	s14 =	sadd.s32 s9, s2;
	s7 =	sshrl.u32 s7, $0x3  }
0xe: {  	s26 =	sshrl.u32 s11, $0x3;
	s11 =	sadd.s32 s10, s29;
	s7 =	sadd.s32 s7, s5  }
0xf: {  	s28 =	sadd.s32 s10, s26;
	s8 =	sadd.s32 $0x39300, s11;
	s10 =	sadd.s32 s30, s10  }
0x10: {  	s9 =	sadd.s32 $0x39A80, s11;
	s11 =	sshll.u32 @!p0 s0, $0x6;
	s5 =	sadd.s32 $0x766600, s7  }
0x11: {  	s6 =	sadd.s32 $0x3A200, s28;
	s7 =	smax.u32 s12, $0x1;
	s10 =	sadd.s32 s31, s10  }
0x12: {  	s11 =	sor.u32 @!p0 $0x1C05, s11;
	s12 =	sshrl.u32 @!p0 s14, $0x3;
	s14 =	simm.s32 $0x78  }
.LBB2_1:
0x13: {  	[spmem:s12], [sflag:s11] =	dma.local @!p0 [hbm:s4], $0x3E80  }
0x14: {  	s23 =	simm.s32 @!p0 $0x5  }
0x15: {  	_ =	swait.ge @!p0 [sflag:s23], $0x3E80  }
0x16: {  	[sflag:s23] =	ssyncset.done @!p0 $0x0  }
0x17: {  	[sflag:s23] =	ssyncadd.s32 @!p0 $0xFFFFC180  }
0x18: {  	[tilespmem:s3], [sflag:$0x5] =	stream.linear.gather [hbm4b:s5+s3], $0x3A98, $0x38;
	[tilespmem:$0x1EB80] =	vst v63  }
0x19: {  	_ =	swait.ge [sflag:s13], $0x3A98  }
0x1a: {  	[sflag:s13] =	ssyncset.done $0x0  }
0x1b: {  	[sflag:s13] =	ssyncadd.s32 $0xFFFFC568  }
0x1c: {  	[bflag:$0x0] =	sbarrier.arrive $0xFFFF  }
0x1d: {  	[tilespmem:s15], [sflag:$0x1] =	stream.indirect.gather [spmem:s2], $0x80, s3, s14, $0xb8;
	[tilespmem:$0x1EB80] =	vst v63  }
0x1e: {  	_ = 	snop  }
0x1f: {  	[tilespmem:s16], [sflag:$0x2] =	stream.indirect.gather [spmem:s2], $0x80, s14, s14, $0xb8;
	[tilespmem:$0x1EB80] =	vst v63  }
0x20: {  	_ =	swait.ge [sflag:s17], $0x3C00  }
0x21: {  	[sflag:s17] =	ssyncset.done $0x0  }
0x22: {  	s30 =	sadd.s32 $0x0, s10;
	[sflag:s17] =	ssyncadd.s32 $0xFFFFC400  }
0x23: {  	[hbm4b:s30+s3] =	stream.linear.scatter [tilespmem:s15], [sflag:$0x3], $0x3C00, $0x38;
	[tilespmem:$0x1EB80] =	vst v63  }
0x24: {  	_ =	swait.ge [sflag:s18], $0x3C00  }
0x25: {  	[sflag:s18] =	ssyncset.done $0x0  }
0x26: {  	s23 =	sadd.s32 $0x780, s30;
	[sflag:s18] =	ssyncadd.s32 $0xFFFFC400  }
0x27: {  	[hbm4b:s23+s3] =	stream.linear.scatter [tilespmem:s16], [sflag:$0x4], $0x3C00, $0x38;
	[tilespmem:$0x1EB80] =	vst v63  }
0x28: {  	_ =	swait.ge [sflag:s19], $0x3C00  }
0x29: {  	[sflag:s19] =	ssyncset.done $0x0  }
0x2a: {  	s31 =	simm.s32 $0xF0;
	[sflag:s19] =	ssyncadd.s32 $0xFFFFC400  }
0x2b: {  	[tilespmem:s15], [sflag:$0x1] =	stream.indirect.gather [spmem:s2], $0x80, s31, s14, $0xb8;
	[tilespmem:$0x1EB80] =	vst v63  }
0x2c: {  	_ =	swait.ge [sflag:s20], $0x3C00  }
0x2d: {  	s24 =	simm.s32 $0xF00;
	[sflag:s20] =	ssyncset.done $0x0  }
0x2e: {  	s25 =	simm.s32 $0x258;
	s23 =	simm.s32 $0x168;
	[sflag:s20] =	ssyncadd.s32 $0xFFFFC400  }
.LBB2_2:
0x2f: {  	[tilespmem:s16], [sflag:$0x2] =	stream.indirect.gather [spmem:s2], $0x80, s23, s14, $0xb8;
	[tilespmem:$0x1EB80] =	vst v63  }
0x30: {  	s26 =	smov.u32 s24;
	s23 =	smov.u32 s25  }
0x31: {  	p1 =	sne.s32 s24, $0x38400;
	s24 =	sadd.s32 $0xF00, s24;
	_ =	swait.ge [sflag:s17], $0x3C00  }
0x32: {  	[sflag:s17] =	ssyncset.done $0x0  }
0x33: {  	s26 =	sadd.s32 s26, s10;
	[sflag:s17] =	ssyncadd.s32 $0xFFFFC400  }
0x34: {  	[hbm4b:s26+s3] =	stream.linear.scatter [tilespmem:s15], [sflag:$0x3], $0x3C00, $0x38;
	[tilespmem:$0x1EB80] =	vst v63  }
0x35: {  	_ =	swait.ge [sflag:s18], $0x3C00  }
0x36: {  	[sflag:s18] =	ssyncset.done $0x0  }
0x37: {  	s26 =	sadd.s32 $0x780, s26;
	[sflag:s18] =	ssyncadd.s32 $0xFFFFC400  }
0x38: {  	[hbm4b:s26+s3] =	stream.linear.scatter [tilespmem:s16], [sflag:$0x4], $0x3C00, $0x38;
	[tilespmem:$0x1EB80] =	vst v63  }
0x39: {  	_ =	swait.ge [sflag:s19], $0x3C00  }
0x3a: {  	[sflag:s19] =	ssyncset.done $0x0  }
.Ltmp0:
0x3b: {  	s26 =	sadd.s32 $0xFFFFFF88, s25;
	[sflag:s19] =	ssyncadd.s32 $0xFFFFC400;
	(pc) =	sbr.rel @p1 .LBB2_2-.Ltmp0, $4  }
0x3c: {  	[tilespmem:s15], [sflag:$0x1] =	stream.indirect.gather [spmem:s2], $0x80, s26, s14, $0xb8;
	[tilespmem:$0x1EB80] =	vst v63  }
0x3d: {  	_ =	swait.ge [sflag:s20], $0x3C00  }
0x3e: {  	[sflag:s20] =	ssyncset.done $0x0  }
0x3f: {  	s25 =	sadd.s32 $0xF0, s25;
	[sflag:s20] =	ssyncadd.s32 $0xFFFFC400  }
0x40: {  	[tilespmem:s16], [sflag:$0x2] =	stream.indirect.gather [spmem:s2], $0x80, s23, s14, $0xb8;
	[tilespmem:$0x1EB80] =	vst v63  }
0x41: {  	_ =	swait.ge [sflag:s17], $0x3C00  }
0x42: {  	[sflag:s17] =	ssyncset.done $0x0  }
0x43: {  	[sflag:s17] =	ssyncadd.s32 $0xFFFFC400  }
0x44: {  	[hbm4b:s8+s3] =	stream.linear.scatter [tilespmem:s15], [sflag:$0x3], $0x3C00, $0x38;
	[tilespmem:$0x1EB80] =	vst v63  }
0x45: {  	_ =	swait.ge [sflag:s18], $0x3C00  }
0x46: {  	[sflag:s18] =	ssyncset.done $0x0  }
0x47: {  	[sflag:s18] =	ssyncadd.s32 $0xFFFFC400  }
0x48: {  	[hbm4b:s9+s3] =	stream.linear.scatter [tilespmem:s16], [sflag:$0x4], $0x3C00, $0x38;
	[tilespmem:$0x1EB80] =	vst v63  }
0x49: {  	_ =	swait.ge [sflag:s19], $0x3C00  }
0x4a: {  	[sflag:s19] =	ssyncset.done $0x0  }
0x4b: {  	[sflag:s19] =	ssyncadd.s32 $0xFFFFC400  }
0x4c: {  	[tilespmem:s15], [sflag:$0x1] =	stream.indirect.gather [spmem:s2], $0x80, s21, s14, $0xb8;
	[tilespmem:$0x1EB80] =	vst v63  }
0x4d: {  	_ =	swait.ge [sflag:s20], $0x3C00  }
0x4e: {  	[sflag:s20] =	ssyncset.done $0x0  }
0x4f: {  	[sflag:s20] =	ssyncadd.s32 $0xFFFFC400  }
0x50: {  	s22 =	sadd.s32 $0x1, s22;
	_ =	swait.ge [sflag:s17], $0x3C00  }
0x51: {  	p1 =	sne.s32 s22, s7;
	[sflag:s17] =	ssyncset.done $0x0  }
.Ltmp1:
0x52: {  	[sflag:s17] =	ssyncadd.s32 $0xFFFFC400;
	(pc) =	sbr.rel @p1 .LBB2_1-.Ltmp1, $4  }
0x53: {  	[hbm4b:s6+s3] =	stream.linear.scatter [tilespmem:s15], [sflag:$0x3], $0x3C00, $0x38;
	[tilespmem:$0x1EB80] =	vst v63  }
0x54: {  	_ =	swait.ge [sflag:s19], $0x3C00  }
0x55: {  	[sflag:s19] =	ssyncset.done $0x0  }
0x56: {  	[sflag:s19] =	ssyncadd.s32 $0xFFFFC400  }
0x57: {  	_ =	sfence.sel $0x180000  }
0x58: {  	[bflag:$0x0] =	sbarrier.arrive $0xFFFF  }
0x59: {  	p0 =	sne.s32 s0, $0x0;
	_ =	strace $0x9000004A  }
0x5a: {  	s0 =	sadd.s32 @!p0 $0x100000, s1;
	[bflag:$0x2] =	sbarrier.arrive $0xFFFF  }
0x5b: {  	[sflag:s0] =	ssyncadd.tile.s32 @!p0 $0x1;
	_ =	shalt  }
.Lfunc_end2:
_tile_overlayer_lowered:
.L_overlay_start_2:
0x5c: {  	(tag) =	ssettag $0x2  }
0x5d: {  	s0 =	rddreg [dreg:$0x0];
	s2 =	stileid.u32  }
0x5e: {  	s1 =	rddreg [dreg:$0x1];
	p0 =	sne.s32 s2, $0x0  }
0x5f: {  	s3 =	rddreg [dreg:$0x2];
	[bflag:$0x3] =	sbarrier.arrive $0xFFFF;
	s2 =	simm.s32 @!p0 $0x1C05  }
0x60: {  	[timem:s3], [sflag:s2] =	dma.local @!p0 [hbm:s0], s1  }
0x61: {  	s0 =	simm.s32 @!p0 $0x5  }
0x62: {  	_ =	swait.ge @!p0 [sflag:s0], s1  }
0x63: {  	s1 =	ssub.s32 @!p0 $0x0, s1;
	[sflag:s0] =	ssyncset.done @!p0 $0x0  }
0x64: {  	[sflag:s0] =	ssyncadd.s32 @!p0 s1  }
0x65: {  	[bflag:$0x3] =	sbarrier.arrive $0xFFFF  }
0x66: {  	_ =	shalt  }

</sc_bundles>
